<compile_context>
chip_gen: v7x
topology: tpu7x:2x2x1
jax: 0.10.2.dev20260603
libtpu: 0.0.44.dev20260713+nightly
codegen_flags: <defaults>
</compile_context>

<pallas_src>
import functools

import jax
import jax.numpy as jnp
from jax import lax
from jax.experimental import pallas as pl
from jax.experimental.pallas import tpu as pltpu
from jax.experimental.pallas import tpu_sc as plsc

N = 10000
NP = 10240
E = 320000
D = 128
G = 64
V = 100000
NC, NS, L = 2, 16, 16
NW = NC * NS
RPW = NP // NW
EPW = E // NW
CH = 80
NECH = EPW // CH
RPT = NP // NS

f32 = jnp.float32
i32 = jnp.int32


def _mesh():
    return plsc.VectorSubcoreMesh(
        core_axis_name="c", subcore_axis_name="s",
        num_cores=NC, num_subcores=NS)


def _sc_prep_body(x_ref, col_ref, ew_ref, embed_ref, zcol_ref,
                  h0_ref, degp_ref,
                  idxv, rowsv, colv, ewv, buf16, deg_sh, sem):
    c = lax.axis_index("c")
    s = lax.axis_index("s")
    w = s * NC + c

    pltpu.sync_copy(zcol_ref.at[pl.ds(s * RPT, RPT)],
                    deg_sh.at[pl.ds(s * RPT, RPT)])
    plsc.subcore_barrier()

    def gbody(t, _):
        base = w * RPW + t * CH
        pltpu.sync_copy(x_ref.at[pl.ds(base, CH)], idxv)
        pltpu.async_copy(embed_ref.at[idxv], rowsv, sem).wait()
        pltpu.sync_copy(rowsv, h0_ref.at[pl.ds(base, CH)])
        return 0

    lax.fori_loop(0, RPW // CH, gbody, 0)

    def dbody(j, _):
        base = w * EPW + j * CH
        pltpu.sync_copy(col_ref.at[pl.ds(base, CH)], colv)
        pltpu.sync_copy(ew_ref.at[pl.ds(base, CH)], ewv)

        def fill(i, _):
            sv = plsc.load_gather(ewv, [jnp.full((L,), i, i32)])
            buf16[i, pl.ds(0, L)] = sv
            return 0

        lax.fori_loop(0, CH, fill, 0)
        pltpu.sync_copy(buf16, deg_sh.at[colv], add=True)
        return 0

    lax.fori_loop(0, NECH, dbody, 0)
    plsc.subcore_barrier()
    pltpu.sync_copy(deg_sh.at[pl.ds(s * RPT, RPT)],
                    degp_ref.at[c, pl.ds(s * RPT, RPT)])


@functools.cache
def _sc_prep():
    return pl.kernel(
        _sc_prep_body,
        out_type=(
            jax.ShapeDtypeStruct((NP, D), f32),
            jax.ShapeDtypeStruct((NC, NP, L), f32),
        ),
        mesh=_mesh(),
        compiler_params=pltpu.CompilerParams(needs_layout_passes=False),
        scratch_types=(
            pltpu.VMEM((CH,), i32),
            pltpu.VMEM((CH, D), f32),
            pltpu.VMEM((CH,), i32),
            pltpu.VMEM((CH,), f32),
            pltpu.VMEM((CH, L), f32),
            pltpu.VMEM_SHARED((NP, L), f32),
            pltpu.SemaphoreType.DMA,
        ),
    )


def _sc_edge_pass_body(hs_ref, row_ref, col_ref, ew_ref,
                       accp_ref,
                       rowv, colv, ewv, rowsv, acc_sh, sem):
    c = lax.axis_index("c")
    s = lax.axis_index("s")
    w = s * NC + c

    z16 = jnp.zeros((L,), f32)

    def zfill(i, _):
        for q in range(D // L):
            rowsv[i, pl.ds(q * L, L)] = z16
        return 0

    lax.fori_loop(0, CH, zfill, 0)
    for m in range(RPT // CH):
        pltpu.sync_copy(rowsv, acc_sh.at[pl.ds(s * RPT + m * CH, CH)])
    plsc.subcore_barrier()

    def ebody(j, _):
        base = w * EPW + j * CH
        pltpu.sync_copy(row_ref.at[pl.ds(base, CH)], rowv)
        pltpu.sync_copy(col_ref.at[pl.ds(base, CH)], colv)
        pltpu.sync_copy(ew_ref.at[pl.ds(base, CH)], ewv)
        pltpu.async_copy(hs_ref.at[rowv], rowsv, sem).wait()

        def scale(i, _):
            sv = plsc.load_gather(ewv, [jnp.full((L,), i, i32)])
            for q in range(D // L):
                rowsv[i, pl.ds(q * L, L)] = rowsv[i, pl.ds(q * L, L)] * sv
            return 0

        lax.fori_loop(0, CH, scale, 0)
        pltpu.sync_copy(rowsv, acc_sh.at[colv], add=True)
        return 0

    lax.fori_loop(0, NECH, ebody, 0)
    plsc.subcore_barrier()
    pltpu.sync_copy(acc_sh.at[pl.ds(s * RPT, RPT)],
                    accp_ref.at[c, pl.ds(s * RPT, RPT)])


@functools.cache
def _sc_edge_pass():
    return pl.kernel(
        _sc_edge_pass_body,
        out_type=jax.ShapeDtypeStruct((NC, NP, D), f32),
        mesh=_mesh(),
        compiler_params=pltpu.CompilerParams(needs_layout_passes=False),
        scratch_types=(
            pltpu.VMEM((CH,), i32),
            pltpu.VMEM((CH,), i32),
            pltpu.VMEM((CH,), f32),
            pltpu.VMEM((CH, D), f32),
            pltpu.VMEM_SHARED((NP, D), f32),
            pltpu.SemaphoreType.DMA,
        ),
    )


def _tc_scale_body(degp_ref, h0_ref, dinv_ref, hs0_ref):
    deg = degp_ref[0, :, 0:1] + degp_ref[1, :, 0:1] + 1.0
    dinv = lax.rsqrt(deg)
    dinv_ref[...] = dinv
    hs0_ref[...] = h0_ref[...] * dinv


_tc_scale = pl.pallas_call(
    _tc_scale_body,
    grid=(NP // 128,),
    in_specs=[
        pl.BlockSpec((NC, 128, L), lambda i: (0, i, 0)),
        pl.BlockSpec((128, D), lambda i: (i, 0)),
    ],
    out_specs=[
        pl.BlockSpec((128, 1), lambda i: (i, 0)),
        pl.BlockSpec((128, D), lambda i: (i, 0)),
    ],
    out_shape=[
        jax.ShapeDtypeStruct((NP, 1), f32),
        jax.ShapeDtypeStruct((NP, D), f32),
    ],
)


def _tc_mlp_body(accp_ref, hs0_ref, dinv_ref, w1_ref, b1_ref, w2_ref,
                 hs1_ref):
    dinv = dinv_ref[...]
    p0 = (accp_ref[0] + accp_ref[1] + hs0_ref[...]) * dinv
    h1 = jnp.maximum(
        jnp.dot(p0, w1_ref[...], preferred_element_type=f32) + b1_ref[...],
        0.0)
    t = jnp.dot(h1, w2_ref[...], preferred_element_type=f32)
    hs1_ref[...] = t * dinv


_tc_mlp = pl.pallas_call(
    _tc_mlp_body,
    grid=(NP // 128,),
    in_specs=[
        pl.BlockSpec((NC, 128, D), lambda i: (0, i, 0)),
        pl.BlockSpec((128, D), lambda i: (i, 0)),
        pl.BlockSpec((128, 1), lambda i: (i, 0)),
        pl.BlockSpec((D, 2 * D), lambda i: (0, 0)),
        pl.BlockSpec((1, 2 * D), lambda i: (0, 0)),
        pl.BlockSpec((2 * D, D), lambda i: (0, 0)),
    ],
    out_specs=pl.BlockSpec((128, D), lambda i: (i, 0)),
    out_shape=jax.ShapeDtypeStruct((NP, D), f32),
)


def _tc_final_body(accp_ref, hs1_ref, dinv_ref, b2_ref, batch_ref,
                   out_ref, sums, cnt):
    step = pl.program_id(0)
    h2 = jnp.maximum(
        (accp_ref[0] + accp_ref[1] + hs1_ref[...]) * dinv_ref[...]
        + b2_ref[...],
        0.0)
    bt = batch_ref[...].reshape(1, 128)
    oh = (lax.broadcasted_iota(i32, (G, 128), 0) == bt).astype(f32)
    part = jnp.dot(oh, h2, preferred_element_type=f32)
    pcnt = jnp.sum(oh, axis=1, keepdims=True)

    @pl.when(step == 0)
    def _():
        sums[...] = part
        cnt[...] = pcnt

    @pl.when(step > 0)
    def _():
        sums[...] = sums[...] + part
        cnt[...] = cnt[...] + pcnt

    out_ref[...] = sums[...] / jnp.maximum(cnt[...], 1.0)


_tc_final = pl.pallas_call(
    _tc_final_body,
    grid=(NP // 128,),
    in_specs=[
        pl.BlockSpec((NC, 128, D), lambda i: (0, i, 0)),
        pl.BlockSpec((128, D), lambda i: (i, 0)),
        pl.BlockSpec((128, 1), lambda i: (i, 0)),
        pl.BlockSpec((1, D), lambda i: (0, 0)),
        pl.BlockSpec((128,), lambda i: (i,)),
    ],
    out_specs=pl.BlockSpec((G, D), lambda i: (0, 0)),
    out_shape=jax.ShapeDtypeStruct((G, D), f32),
    scratch_shapes=[pltpu.VMEM((G, D), f32), pltpu.VMEM((G, 1), f32)],
)


def kernel(x, edge_index, batch, edge_attr, graph_fea, embed, W1, b1, W2, b2):
    del graph_fea
    x_pad = jnp.concatenate(
        [x.astype(i32), jnp.zeros((NP - N,), i32)])
    batch_pad = jnp.concatenate(
        [batch.astype(i32), jnp.full((NP - N,), G, i32)])
    row = edge_index[0].astype(i32)
    col = edge_index[1].astype(i32)
    ew1 = edge_attr.astype(f32)
    zcol = jnp.zeros((NP, L), f32)

    h0, degp = _sc_prep()(x_pad, col, ew1, embed.astype(f32), zcol)
    dinv, hs0 = _tc_scale(degp, h0)
    acc1 = _sc_edge_pass()(hs0, row, col, ew1)
    hs1 = _tc_mlp(acc1, hs0, dinv, W1.astype(f32),
                  b1.astype(f32).reshape(1, 2 * D), W2.astype(f32))
    acc2 = _sc_edge_pass()(hs1, row, col, ew1)
    out = _tc_final(acc2, hs1, dinv, b2.astype(f32).reshape(1, D), batch_pad)
    return out

# --- scband reference (transcript-rebuilt; emitter-appended) ---
"""Pipeline reference for scband-gattconv-37297495998770 (READ-ONLY COPY).

The authoritative reference and input builder live on the scoring server;
editing this copy changes nothing except your own understanding.
"""

import jax
import jax.numpy as jnp
import numpy as np

N = 10000
E = 320000
D = 128
V = 100000
G = 64


def setup_inputs(seed: int = 0) -> dict:
    key = jax.random.key(seed)
    ks = jax.random.split(key, 10)
    x = jax.random.randint(ks[0], (N,), 0, V)
    edge_index = jax.random.randint(ks[1], (2, E), 0, N)
    batch = jnp.sort(jax.random.randint(ks[2], (N,), 0, G))
    edge_attr = jax.random.uniform(ks[3], (E,), dtype=jnp.float32)
    graph_fea = jax.random.normal(ks[4], (G, D), dtype=jnp.float32)
    embed = jax.random.normal(ks[5], (V, D), dtype=jnp.float32) * 0.02
    W1 = jax.random.normal(ks[6], (D, 2 * D), dtype=jnp.float32) * (1.0 / np.sqrt(D))
    b1 = jnp.zeros((2 * D,), dtype=jnp.float32)
    W2 = jax.random.normal(ks[7], (2 * D, D), dtype=jnp.float32) * (1.0 / np.sqrt(2 * D))
    b2 = jnp.zeros((D,), dtype=jnp.float32)
    return {"x": x, "edge_index": edge_index, "batch": batch, "edge_attr": edge_attr,
            "graph_fea": graph_fea, "embed": embed, "W1": W1, "b1": b1, "W2": W2, "b2": b2}


def gcn_conv(h, edge_index, edge_weight, W, b):
    # PyG GCNConv with edge weights: x' = D^{-1/2} (A + I) D^{-1/2} X W + b
    n = h.shape[0]
    h = h @ W
    row = edge_index[0]
    col = edge_index[1]
    loop = jnp.arange(n)
    row = jnp.concatenate([row, loop])
    col = jnp.concatenate([col, loop])
    ew = jnp.concatenate([edge_weight, jnp.ones((n,), dtype=edge_weight.dtype)])
    deg = jnp.zeros((n,), dtype=h.dtype).at[col].add(ew)
    deg_inv_sqrt = jnp.where(deg > 0, deg ** -0.5, 0.0)
    norm = deg_inv_sqrt[row] * ew * deg_inv_sqrt[col]
    msg = h[row] * norm[:, None]
    out = jnp.zeros((n, W.shape[1]), dtype=h.dtype).at[col].add(msg)
    return out + b


def reference(x, edge_index, batch, edge_attr, graph_fea, embed, W1, b1, W2, b2):
    # graph_fea is accepted but unused, matching the torch forward signature
    h = jnp.take(embed, x, axis=0)
    h = gcn_conv(h, edge_index, edge_attr, W1, b1)
    h = jax.nn.relu(h)
    h = gcn_conv(h, edge_index, edge_attr, W2, b2)
    h = jax.nn.relu(h)
    sums = jax.ops.segment_sum(h, batch, num_segments=G)
    counts = jax.ops.segment_sum(jnp.ones((h.shape[0],), dtype=h.dtype), batch, num_segments=G)
    return sums / jnp.clip(counts, 1.0)[:, None]

if __name__ == "__main__":
    import jax
    _d = setup_inputs()
    print(jax.jit(kernel)(*tuple(_d.values())))

</pallas_src>

<mosaic_0001>
#map = affine_map<(d0, d1) -> (0)>
#map1 = affine_map<(d0, d1) -> (0, 0)>
#map2 = affine_map<(d0, d1) -> (0, 0, 0)>
module attributes {stable_mosaic.version = 14 : i64} {
  func.func @_sc_prep_body(%arg0: i32, %arg1: i32, %arg2: memref<10240xi32, #tpu.memory_space<hbm>>, %arg3: memref<320000xi32, #tpu.memory_space<hbm>>, %arg4: memref<320000xf32, #tpu.memory_space<hbm>>, %arg5: memref<100000x128xf32, #tpu.memory_space<hbm>>, %arg6: memref<10240x16xf32, #tpu.memory_space<hbm>>, %arg7: memref<10240x128xf32, #tpu.memory_space<hbm>>, %arg8: memref<2x10240x16xf32, #tpu.memory_space<hbm>>, %arg9: memref<80xi32, #tpu.memory_space<vmem>>, %arg10: memref<80x128xf32, #tpu.memory_space<vmem>>, %arg11: memref<80xi32, #tpu.memory_space<vmem>>, %arg12: memref<80xf32, #tpu.memory_space<vmem>>, %arg13: memref<80x16xf32, #tpu.memory_space<vmem>>, %arg14: memref<10240x16xf32, #tpu.memory_space<vmem_shared>>, %arg15: memref<!tpu.dma_semaphore, #tpu.memory_space<semaphore_mem>>) attributes {dimension_semantics = [#tpu.dimension_semantics<core_parallel>, #tpu.dimension_semantics<subcore_parallel>], iteration_bounds = array<i64: 2, 16>, scalar_prefetch = 0 : i64, scratch_operands = 7 : i64, tpu.core_type = #tpu.core_type<sc_vector_subcore>, window_params = [{transform_indices = #map}, {transform_indices = #map}, {transform_indices = #map}, {transform_indices = #map1}, {transform_indices = #map1}, {transform_indices = #map1}, {transform_indices = #map2}]} {
    %mul3A = arith.constant 2 : i32
    %mul3A_0 = arith.muli %arg1, %mul3A : i32
    %add3A = arith.addi %mul3A_0, %arg0 : i32
    %mul3A_1 = arith.constant 640 : i32
    %mul3A_2 = arith.muli %arg1, %mul3A_1 : i32
    %mul3A_3 = arith.constant 640 : i32
    %mul3A_4 = arith.muli %arg1, %mul3A_3 : i32
    "tpu.region"() ({
      %run_scoped3A = tpu.sem_alloc : memref<!tpu.dma_semaphore, #tpu.memory_space<semaphore_mem>>
      %dma_start3A = arith.constant 0 : i32
      %dma_start3A_23 = tpu.memref_slice %arg14[%mul3A_4, %dma_start3A] : memref<10240x16xf32, #tpu.memory_space<vmem_shared>> -> memref<640x16xf32, #tpu.memory_space<vmem_shared>>
      %dma_start3A_24 = arith.constant 0 : i32
      %dma_start3A_25 = tpu.memref_slice %arg6[%mul3A_2, %dma_start3A_24] : memref<10240x16xf32, #tpu.memory_space<hbm>> -> memref<640x16xf32, #tpu.memory_space<hbm>>
      tpu.enqueue_dma source(%dma_start3A_25 : memref<640x16xf32, #tpu.memory_space<hbm>>) target(%dma_start3A_23 : memref<640x16xf32, #tpu.memory_space<vmem_shared>>) target_semaphore(%run_scoped3A : memref<!tpu.dma_semaphore, #tpu.memory_space<semaphore_mem>>)
      %dma_wait3A = arith.constant 0 : i32
      %dma_wait3A_26 = tpu.memref_slice %arg14[%mul3A_4, %dma_wait3A] : memref<10240x16xf32, #tpu.memory_space<vmem_shared>> -> memref<640x16xf32, #tpu.memory_space<vmem_shared>>
      %dma_wait3A_27 = arith.constant 0 : i32
      %dma_wait3A_28 = tpu.memref_slice %arg6[%mul3A_2, %dma_wait3A_27] : memref<10240x16xf32, #tpu.memory_space<hbm>> -> memref<640x16xf32, #tpu.memory_space<hbm>>
      tpu.wait_dma2 semaphore(%run_scoped3A : memref<!tpu.dma_semaphore, #tpu.memory_space<semaphore_mem>>) src(%dma_wait3A_28 : memref<640x16xf32, #tpu.memory_space<hbm>>) dst(%dma_wait3A_26 : memref<640x16xf32, #tpu.memory_space<vmem_shared>>)
      tpu.yield
    }) : () -> ()
    %barrier3A = arith.constant 0 : index
    tpu.barrier barrier_id(%barrier3A)
    %scan3A = arith.constant 0 : i32
    %scan3A_5 = arith.constant 0 : i32
    %scan3A_6 = arith.constant 4 : i32
    %scan3A_7 = arith.addi %scan3A_5, %scan3A_6 : i32
    %scan3A_8 = arith.constant 1 : i32
    %scan3A_9 = scf.for %scan3A_23 = %scan3A_5 to %scan3A_7 step %scan3A_8 iter_args(%scan3A_24 = %scan3A) -> (i32)  : i32 {
      %mul3A_25 = arith.constant 320 : i32
      %mul3A_26 = arith.muli %add3A, %mul3A_25 : i32
      %mul3A_27 = arith.constant 80 : i32
      %mul3A_28 = arith.muli %scan3A_23, %mul3A_27 : i32
      %add3A_29 = arith.addi %mul3A_26, %mul3A_28 : i32
      "tpu.region"() ({
        %run_scoped3A = tpu.sem_alloc : memref<!tpu.dma_semaphore, #tpu.memory_space<semaphore_mem>>
        %dma_start3A_35 = tpu.memref_slice %arg2[%add3A_29] : memref<10240xi32, #tpu.memory_space<hbm>> -> memref<80xi32, #tpu.memory_space<hbm>>
        %dma_start3A_36 = tpu.memref_slice %arg2[%add3A_29] : memref<10240xi32, #tpu.memory_space<hbm>> -> memref<80xi32, #tpu.memory_space<hbm>>
        tpu.enqueue_dma source(%dma_start3A_36 : memref<80xi32, #tpu.memory_space<hbm>>) target(%arg9 : memref<80xi32, #tpu.memory_space<vmem>>) target_semaphore(%run_scoped3A : memref<!tpu.dma_semaphore, #tpu.memory_space<semaphore_mem>>)
        %dma_wait3A_37 = tpu.memref_slice %arg2[%add3A_29] : memref<10240xi32, #tpu.memory_space<hbm>> -> memref<80xi32, #tpu.memory_space<hbm>>
        %dma_wait3A_38 = tpu.memref_slice %arg2[%add3A_29] : memref<10240xi32, #tpu.memory_space<hbm>> -> memref<80xi32, #tpu.memory_space<hbm>>
        tpu.wait_dma2 semaphore(%run_scoped3A : memref<!tpu.dma_semaphore, #tpu.memory_space<semaphore_mem>>) src(%dma_wait3A_38 : memref<80xi32, #tpu.memory_space<hbm>>) dst(%arg9 : memref<80xi32, #tpu.memory_space<vmem>>)
        tpu.yield
      }) : () -> ()
      %dma_start3A = arith.constant 0 : i32
      %dma_start3A_30 = arith.constant 0 : i32
      %dma_start3A_31 = tpu.memref_slice %arg5[%dma_start3A, %dma_start3A_30] : memref<100000x128xf32, #tpu.memory_space<hbm>> -> memref<100000x128xf32, #tpu.memory_space<hbm>>
      tpu.enqueue_indirect_dma source(%dma_start3A_31 : memref<100000x128xf32, #tpu.memory_space<hbm>>) target(%arg10 : memref<80x128xf32, #tpu.memory_space<vmem>>) offsets(%arg9 : memref<80xi32, #tpu.memory_space<vmem>>) semaphore(%arg15 : memref<!tpu.dma_semaphore, #tpu.memory_space<semaphore_mem>>)
      %dma_wait3A = arith.constant 0 : i32
      %dma_wait3A_32 = arith.constant 0 : i32
      %dma_wait3A_33 = tpu.memref_slice %arg5[%dma_wait3A, %dma_wait3A_32] : memref<100000x128xf32, #tpu.memory_space<hbm>> -> memref<100000x128xf32, #tpu.memory_space<hbm>>
      tpu.wait_indirect_dma semaphore(%arg15 : memref<!tpu.dma_semaphore, #tpu.memory_space<semaphore_mem>>) src(%dma_wait3A_33 : memref<100000x128xf32, #tpu.memory_space<hbm>>) dst(%arg10 : memref<80x128xf32, #tpu.memory_space<vmem>>)
      "tpu.region"() ({
        %run_scoped3A = tpu.sem_alloc : memref<!tpu.dma_semaphore, #tpu.memory_space<semaphore_mem>>
        %dma_start3A_35 = arith.constant 0 : i32
        %dma_start3A_36 = tpu.memref_slice %arg7[%add3A_29, %dma_start3A_35] : memref<10240x128xf32, #tpu.memory_space<hbm>> -> memref<80x128xf32, #tpu.memory_space<hbm>>
        %dma_start3A_37 = arith.constant 0 : i32
        %dma_start3A_38 = tpu.memref_slice %arg7[%add3A_29, %dma_start3A_37] : memref<10240x128xf32, #tpu.memory_space<hbm>> -> memref<80x128xf32, #tpu.memory_space<hbm>>
        tpu.enqueue_dma source(%arg10 : memref<80x128xf32, #tpu.memory_space<vmem>>) target(%dma_start3A_38 : memref<80x128xf32, #tpu.memory_space<hbm>>) target_semaphore(%run_scoped3A : memref<!tpu.dma_semaphore, #tpu.memory_space<semaphore_mem>>)
        %dma_wait3A_39 = arith.constant 0 : i32
        %dma_wait3A_40 = tpu.memref_slice %arg7[%add3A_29, %dma_wait3A_39] : memref<10240x128xf32, #tpu.memory_space<hbm>> -> memref<80x128xf32, #tpu.memory_space<hbm>>
        %dma_wait3A_41 = arith.constant 0 : i32
        %dma_wait3A_42 = tpu.memref_slice %arg7[%add3A_29, %dma_wait3A_41] : memref<10240x128xf32, #tpu.memory_space<hbm>> -> memref<80x128xf32, #tpu.memory_space<hbm>>
        tpu.wait_dma2 semaphore(%run_scoped3A : memref<!tpu.dma_semaphore, #tpu.memory_space<semaphore_mem>>) src(%arg10 : memref<80x128xf32, #tpu.memory_space<vmem>>) dst(%dma_wait3A_42 : memref<80x128xf32, #tpu.memory_space<hbm>>)
        tpu.yield
      }) : () -> ()
      %scan3A_34 = arith.constant 0 : i32
      scf.yield %scan3A_34 : i32
    }
    %scan3A_10 = arith.constant 4 : i32
    %scan3A_11 = arith.constant 0 : i32
    %scan3A_12 = arith.constant 0 : i32
    %scan3A_13 = arith.constant 125 : i32
    %scan3A_14 = arith.addi %scan3A_12, %scan3A_13 : i32
    %scan3A_15 = arith.constant 1 : i32
    %scan3A_16 = scf.for %scan3A_23 = %scan3A_12 to %scan3A_14 step %scan3A_15 iter_args(%scan3A_24 = %scan3A_11) -> (i32)  : i32 {
      %mul3A_25 = arith.constant 10000 : i32
      %mul3A_26 = arith.muli %add3A, %mul3A_25 : i32
      %mul3A_27 = arith.constant 80 : i32
      %mul3A_28 = arith.muli %scan3A_23, %mul3A_27 : i32
      %add3A_29 = arith.addi %mul3A_26, %mul3A_28 : i32
      "tpu.region"() ({
        %run_scoped3A = tpu.sem_alloc : memref<!tpu.dma_semaphore, #tpu.memory_space<semaphore_mem>>
        %dma_start3A = tpu.memref_slice %arg3[%add3A_29] : memref<320000xi32, #tpu.memory_space<hbm>> -> memref<80xi32, #tpu.memory_space<hbm>>
        %dma_start3A_38 = tpu.memref_slice %arg3[%add3A_29] : memref<320000xi32, #tpu.memory_space<hbm>> -> memref<80xi32, #tpu.memory_space<hbm>>
        tpu.enqueue_dma source(%dma_start3A_38 : memref<80xi32, #tpu.memory_space<hbm>>) target(%arg11 : memref<80xi32, #tpu.memory_space<vmem>>) target_semaphore(%run_scoped3A : memref<!tpu.dma_semaphore, #tpu.memory_space<semaphore_mem>>)
        %dma_wait3A = tpu.memref_slice %arg3[%add3A_29] : memref<320000xi32, #tpu.memory_space<hbm>> -> memref<80xi32, #tpu.memory_space<hbm>>
        %dma_wait3A_39 = tpu.memref_slice %arg3[%add3A_29] : memref<320000xi32, #tpu.memory_space<hbm>> -> memref<80xi32, #tpu.memory_space<hbm>>
        tpu.wait_dma2 semaphore(%run_scoped3A : memref<!tpu.dma_semaphore, #tpu.memory_space<semaphore_mem>>) src(%dma_wait3A_39 : memref<80xi32, #tpu.memory_space<hbm>>) dst(%arg11 : memref<80xi32, #tpu.memory_space<vmem>>)
        tpu.yield
      }) : () -> ()
      "tpu.region"() ({
        %run_scoped3A = tpu.sem_alloc : memref<!tpu.dma_semaphore, #tpu.memory_space<semaphore_mem>>
        %dma_start3A = tpu.memref_slice %arg4[%add3A_29] : memref<320000xf32, #tpu.memory_space<hbm>> -> memref<80xf32, #tpu.memory_space<hbm>>
        %dma_start3A_38 = tpu.memref_slice %arg4[%add3A_29] : memref<320000xf32, #tpu.memory_space<hbm>> -> memref<80xf32, #tpu.memory_space<hbm>>
        tpu.enqueue_dma source(%dma_start3A_38 : memref<80xf32, #tpu.memory_space<hbm>>) target(%arg12 : memref<80xf32, #tpu.memory_space<vmem>>) target_semaphore(%run_scoped3A : memref<!tpu.dma_semaphore, #tpu.memory_space<semaphore_mem>>)
        %dma_wait3A = tpu.memref_slice %arg4[%add3A_29] : memref<320000xf32, #tpu.memory_space<hbm>> -> memref<80xf32, #tpu.memory_space<hbm>>
        %dma_wait3A_39 = tpu.memref_slice %arg4[%add3A_29] : memref<320000xf32, #tpu.memory_space<hbm>> -> memref<80xf32, #tpu.memory_space<hbm>>
        tpu.wait_dma2 semaphore(%run_scoped3A : memref<!tpu.dma_semaphore, #tpu.memory_space<semaphore_mem>>) src(%dma_wait3A_39 : memref<80xf32, #tpu.memory_space<hbm>>) dst(%arg12 : memref<80xf32, #tpu.memory_space<vmem>>)
        tpu.yield
      }) : () -> ()
      %scan3A_30 = arith.constant 0 : i32
      %scan3A_31 = arith.constant 0 : i32
      %scan3A_32 = arith.constant 80 : i32
      %scan3A_33 = arith.addi %scan3A_31, %scan3A_32 : i32
      %scan3A_34 = arith.constant 1 : i32
      %scan3A_35 = scf.for %scan3A_38 = %scan3A_31 to %scan3A_33 step %scan3A_34 iter_args(%scan3A_39 = %scan3A_30) -> (i32)  : i32 {
        %broadcast_in_dim3A = vector.broadcast %scan3A_38 : i32 to vector<16xi32>
        %gather3A = tpu.vector_load_idx %arg12[%broadcast_in_dim3A] : memref<80xf32, #tpu.memory_space<vmem>>[vector<16xi32>], vector<16xf32>,
        %swap3A = arith.index_cast %scan3A_38 : i32 to index
        %swap3A_40 = arith.constant 0 : index
        %swap3A_41 = tpu.vector_load %arg13[%swap3A, %swap3A_40] {strides = array<i32>} : memref<80x16xf32, #tpu.memory_space<vmem>>, vector<16xf32>,
        tpu.vector_store %arg13[%swap3A, %swap3A_40], %gather3A {strides = array<i32>} : memref<80x16xf32, #tpu.memory_space<vmem>>, vector<16xf32>,
        %scan3A_42 = arith.constant 0 : i32
        scf.yield %scan3A_42 : i32
      }
      %scan3A_36 = arith.constant 80 : i32
      "tpu.region"() ({
        %run_scoped3A = tpu.sem_alloc : memref<!tpu.dma_semaphore, #tpu.memory_space<semaphore_mem>>
        %dma_start3A = arith.constant 0 : i32
        %dma_start3A_38 = arith.constant 0 : i32
        %dma_start3A_39 = tpu.memref_slice %arg14[%dma_start3A, %dma_start3A_38] : memref<10240x16xf32, #tpu.memory_space<vmem_shared>> -> memref<10240x16xf32, #tpu.memory_space<vmem_shared>>
        tpu.enqueue_indirect_dma source(%arg13 : memref<80x16xf32, #tpu.memory_space<vmem>>) target(%dma_start3A_39 : memref<10240x16xf32, #tpu.memory_space<vmem_shared>>) offsets(%arg11 : memref<80xi32, #tpu.memory_space<vmem>>) semaphore(%run_scoped3A : memref<!tpu.dma_semaphore, #tpu.memory_space<semaphore_mem>>) {add = true}
        %dma_wait3A = arith.constant 0 : i32
        %dma_wait3A_40 = arith.constant 0 : i32
        %dma_wait3A_41 = tpu.memref_slice %arg14[%dma_wait3A, %dma_wait3A_40] : memref<10240x16xf32, #tpu.memory_space<vmem_shared>> -> memref<10240x16xf32, #tpu.memory_space<vmem_shared>>
        tpu.wait_indirect_dma semaphore(%run_scoped3A : memref<!tpu.dma_semaphore, #tpu.memory_space<semaphore_mem>>) src(%arg13 : memref<80x16xf32, #tpu.memory_space<vmem>>) dst(%dma_wait3A_41 : memref<10240x16xf32, #tpu.memory_space<vmem_shared>>)
        tpu.yield
      }) : () -> ()
      %scan3A_37 = arith.constant 0 : i32
      scf.yield %scan3A_37 : i32
    }
    %scan3A_17 = arith.constant 125 : i32
    %barrier3A_18 = arith.constant 0 : index
    tpu.barrier barrier_id(%barrier3A_18)
    %mul3A_19 = arith.constant 640 : i32
    %mul3A_20 = arith.muli %arg1, %mul3A_19 : i32
    %mul3A_21 = arith.constant 640 : i32
    %mul3A_22 = arith.muli %arg1, %mul3A_21 : i32
    "tpu.region"() ({
      %run_scoped3A = tpu.sem_alloc : memref<!tpu.dma_semaphore, #tpu.memory_space<semaphore_mem>>
      %dma_start3A = arith.constant 0 : i32
      %dma_start3A_23 = tpu.memref_slice %arg8[%arg0, %mul3A_22, %dma_start3A] : memref<2x10240x16xf32, #tpu.memory_space<hbm>> -> memref<1x640x16xf32, #tpu.memory_space<hbm>>
      %dma_start3A_24 = tpu.memref_squeeze %dma_start3A_23 : memref<1x640x16xf32, #tpu.memory_space<hbm>> -> memref<640x16xf32, #tpu.memory_space<hbm>>
      %dma_start3A_25 = arith.constant 0 : i32
      %dma_start3A_26 = tpu.memref_slice %arg14[%mul3A_20, %dma_start3A_25] : memref<10240x16xf32, #tpu.memory_space<vmem_shared>> -> memref<640x16xf32, #tpu.memory_space<vmem_shared>>
      tpu.enqueue_dma source(%dma_start3A_26 : memref<640x16xf32, #tpu.memory_space<vmem_shared>>) target(%dma_start3A_24 : memref<640x16xf32, #tpu.memory_space<hbm>>) target_semaphore(%run_scoped3A : memref<!tpu.dma_semaphore, #tpu.memory_space<semaphore_mem>>)
      %dma_wait3A = arith.constant 0 : i32
      %dma_wait3A_27 = tpu.memref_slice %arg8[%arg0, %mul3A_22, %dma_wait3A] : memref<2x10240x16xf32, #tpu.memory_space<hbm>> -> memref<1x640x16xf32, #tpu.memory_space<hbm>>
      %dma_wait3A_28 = tpu.memref_squeeze %dma_wait3A_27 : memref<1x640x16xf32, #tpu.memory_space<hbm>> -> memref<640x16xf32, #tpu.memory_space<hbm>>
      %dma_wait3A_29 = arith.constant 0 : i32
      %dma_wait3A_30 = tpu.memref_slice %arg14[%mul3A_20, %dma_wait3A_29] : memref<10240x16xf32, #tpu.memory_space<vmem_shared>> -> memref<640x16xf32, #tpu.memory_space<vmem_shared>>
      tpu.wait_dma2 semaphore(%run_scoped3A : memref<!tpu.dma_semaphore, #tpu.memory_space<semaphore_mem>>) src(%dma_wait3A_30 : memref<640x16xf32, #tpu.memory_space<vmem_shared>>) dst(%dma_wait3A_28 : memref<640x16xf32, #tpu.memory_space<hbm>>)
      tpu.yield
    }) : () -> ()
    return
  }
}

#map = affine_map<(d0, d1) -> (0, 0)>
#map1 = affine_map<(d0, d1) -> (0)>
#map2 = affine_map<(d0, d1) -> (0, 0, 0)>
module attributes {stable_mosaic.version = 14 : i64} {
  func.func @_sc_edge_pass_body(%arg0: i32, %arg1: i32, %arg2: memref<10240x128xf32, #tpu.memory_space<hbm>>, %arg3: memref<320000xi32, #tpu.memory_space<hbm>>, %arg4: memref<320000xi32, #tpu.memory_space<hbm>>, %arg5: memref<320000xf32, #tpu.memory_space<hbm>>, %arg6: memref<2x10240x128xf32, #tpu.memory_space<hbm>>, %arg7: memref<80xi32, #tpu.memory_space<vmem>>, %arg8: memref<80xi32, #tpu.memory_space<vmem>>, %arg9: memref<80xf32, #tpu.memory_space<vmem>>, %arg10: memref<80x128xf32, #tpu.memory_space<vmem>>, %arg11: memref<10240x128xf32, #tpu.memory_space<vmem_shared>>, %arg12: memref<!tpu.dma_semaphore, #tpu.memory_space<semaphore_mem>>) attributes {dimension_semantics = [#tpu.dimension_semantics<core_parallel>, #tpu.dimension_semantics<subcore_parallel>], iteration_bounds = array<i64: 2, 16>, scalar_prefetch = 0 : i64, scratch_operands = 6 : i64, tpu.core_type = #tpu.core_type<sc_vector_subcore>, window_params = [{transform_indices = #map}, {transform_indices = #map1}, {transform_indices = #map1}, {transform_indices = #map1}, {transform_indices = #map2}]} {
    %mul3A = arith.constant 2 : i32
    %mul3A_0 = arith.muli %arg1, %mul3A : i32
    %add3A = arith.addi %mul3A_0, %arg0 : i32
    %broadcast_in_dim3A = arith.constant 0.000000e+00 : f32
    %broadcast_in_dim3A_1 = vector.broadcast %broadcast_in_dim3A : f32 to vector<16xf32>
    %scan3A = arith.constant 0 : i32
    %scan3A_2 = arith.constant 0 : i32
    %scan3A_3 = arith.constant 80 : i32
    %scan3A_4 = arith.addi %scan3A_2, %scan3A_3 : i32
    %scan3A_5 = arith.constant 1 : i32
    %scan3A_6 = scf.for %scan3A_52 = %scan3A_2 to %scan3A_4 step %scan3A_5 iter_args(%scan3A_53 = %scan3A) -> (i32)  : i32 {
      %swap3A = arith.index_cast %scan3A_52 : i32 to index
      %swap3A_54 = arith.constant 0 : index
      %swap3A_55 = tpu.vector_load %arg10[%swap3A, %swap3A_54] {strides = array<i32>} : memref<80x128xf32, #tpu.memory_space<vmem>>, vector<16xf32>,
      tpu.vector_store %arg10[%swap3A, %swap3A_54], %broadcast_in_dim3A_1 {strides = array<i32>} : memref<80x128xf32, #tpu.memory_space<vmem>>, vector<16xf32>,
      %swap3A_56 = arith.index_cast %scan3A_52 : i32 to index
      %swap3A_57 = arith.constant 16 : index
      %swap3A_58 = tpu.vector_load %arg10[%swap3A_56, %swap3A_57] {strides = array<i32>} : memref<80x128xf32, #tpu.memory_space<vmem>>, vector<16xf32>,
      tpu.vector_store %arg10[%swap3A_56, %swap3A_57], %broadcast_in_dim3A_1 {strides = array<i32>} : memref<80x128xf32, #tpu.memory_space<vmem>>, vector<16xf32>,
      %swap3A_59 = arith.index_cast %scan3A_52 : i32 to index
      %swap3A_60 = arith.constant 32 : index
      %swap3A_61 = tpu.vector_load %arg10[%swap3A_59, %swap3A_60] {strides = array<i32>} : memref<80x128xf32, #tpu.memory_space<vmem>>, vector<16xf32>,
      tpu.vector_store %arg10[%swap3A_59, %swap3A_60], %broadcast_in_dim3A_1 {strides = array<i32>} : memref<80x128xf32, #tpu.memory_space<vmem>>, vector<16xf32>,
      %swap3A_62 = arith.index_cast %scan3A_52 : i32 to index
      %swap3A_63 = arith.constant 48 : index
      %swap3A_64 = tpu.vector_load %arg10[%swap3A_62, %swap3A_63] {strides = array<i32>} : memref<80x128xf32, #tpu.memory_space<vmem>>, vector<16xf32>,
      tpu.vector_store %arg10[%swap3A_62, %swap3A_63], %broadcast_in_dim3A_1 {strides = array<i32>} : memref<80x128xf32, #tpu.memory_space<vmem>>, vector<16xf32>,
      %swap3A_65 = arith.index_cast %scan3A_52 : i32 to index
      %swap3A_66 = arith.constant 64 : index
      %swap3A_67 = tpu.vector_load %arg10[%swap3A_65, %swap3A_66] {strides = array<i32>} : memref<80x128xf32, #tpu.memory_space<vmem>>, vector<16xf32>,
      tpu.vector_store %arg10[%swap3A_65, %swap3A_66], %broadcast_in_dim3A_1 {strides = array<i32>} : memref<80x128xf32, #tpu.memory_space<vmem>>, vector<16xf32>,
      %swap3A_68 = arith.index_cast %scan3A_52 : i32 to index
      %swap3A_69 = arith.constant 80 : index
      %swap3A_70 = tpu.vector_load %arg10[%swap3A_68, %swap3A_69] {strides = array<i32>} : memref<80x128xf32, #tpu.memory_space<vmem>>, vector<16xf32>,
      tpu.vector_store %arg10[%swap3A_68, %swap3A_69], %broadcast_in_dim3A_1 {strides = array<i32>} : memref<80x128xf32, #tpu.memory_space<vmem>>, vector<16xf32>,
      %swap3A_71 = arith.index_cast %scan3A_52 : i32 to index
      %swap3A_72 = arith.constant 96 : index
      %swap3A_73 = tpu.vector_load %arg10[%swap3A_71, %swap3A_72] {strides = array<i32>} : memref<80x128xf32, #tpu.memory_space<vmem>>, vector<16xf32>,
      tpu.vector_store %arg10[%swap3A_71, %swap3A_72], %broadcast_in_dim3A_1 {strides = array<i32>} : memref<80x128xf32, #tpu.memory_space<vmem>>, vector<16xf32>,
      %swap3A_74 = arith.index_cast %scan3A_52 : i32 to index
      %swap3A_75 = arith.constant 112 : index
      %swap3A_76 = tpu.vector_load %arg10[%swap3A_74, %swap3A_75] {strides = array<i32>} : memref<80x128xf32, #tpu.memory_space<vmem>>, vector<16xf32>,
      tpu.vector_store %arg10[%swap3A_74, %swap3A_75], %broadcast_in_dim3A_1 {strides = array<i32>} : memref<80x128xf32, #tpu.memory_space<vmem>>, vector<16xf32>,
      %scan3A_77 = arith.constant 0 : i32
      scf.yield %scan3A_77 : i32
    }
    %scan3A_7 = arith.constant 80 : i32
    %mul3A_8 = arith.constant 640 : i32
    %mul3A_9 = arith.muli %arg1, %mul3A_8 : i32
    %add3A_10 = arith.constant 0 : i32
    %add3A_11 = arith.addi %mul3A_9, %add3A_10 : i32
    "tpu.region"() ({
      %run_scoped3A = tpu.sem_alloc : memref<!tpu.dma_semaphore, #tpu.memory_space<semaphore_mem>>
      %dma_start3A = arith.constant 0 : i32
      %dma_start3A_52 = tpu.memref_slice %arg11[%add3A_11, %dma_start3A] : memref<10240x128xf32, #tpu.memory_space<vmem_shared>> -> memref<80x128xf32, #tpu.memory_space<vmem_shared>>
      %dma_start3A_53 = arith.constant 0 : i32
      %dma_start3A_54 = tpu.memref_slice %arg11[%add3A_11, %dma_start3A_53] : memref<10240x128xf32, #tpu.memory_space<vmem_shared>> -> memref<80x128xf32, #tpu.memory_space<vmem_shared>>
      tpu.enqueue_dma source(%arg10 : memref<80x128xf32, #tpu.memory_space<vmem>>) target(%dma_start3A_54 : memref<80x128xf32, #tpu.memory_space<vmem_shared>>) target_semaphore(%run_scoped3A : memref<!tpu.dma_semaphore, #tpu.memory_space<semaphore_mem>>)
      %dma_wait3A = arith.constant 0 : i32
      %dma_wait3A_55 = tpu.memref_slice %arg11[%add3A_11, %dma_wait3A] : memref<10240x128xf32, #tpu.memory_space<vmem_shared>> -> memref<80x128xf32, #tpu.memory_space<vmem_shared>>
      %dma_wait3A_56 = arith.constant 0 : i32
      %dma_wait3A_57 = tpu.memref_slice %arg11[%add3A_11, %dma_wait3A_56] : memref<10240x128xf32, #tpu.memory_space<vmem_shared>> -> memref<80x128xf32, #tpu.memory_space<vmem_shared>>
      tpu.wait_dma2 semaphore(%run_scoped3A : memref<!tpu.dma_semaphore, #tpu.memory_space<semaphore_mem>>) src(%arg10 : memref<80x128xf32, #tpu.memory_space<vmem>>) dst(%dma_wait3A_57 : memref<80x128xf32, #tpu.memory_space<vmem_shared>>)
      tpu.yield
    }) : () -> ()
    %mul3A_12 = arith.constant 640 : i32
    %mul3A_13 = arith.muli %arg1, %mul3A_12 : i32
    %add3A_14 = arith.constant 80 : i32
    %add3A_15 = arith.addi %mul3A_13, %add3A_14 : i32
    "tpu.region"() ({
      %run_scoped3A = tpu.sem_alloc : memref<!tpu.dma_semaphore, #tpu.memory_space<semaphore_mem>>
      %dma_start3A = arith.constant 0 : i32
      %dma_start3A_52 = tpu.memref_slice %arg11[%add3A_15, %dma_start3A] : memref<10240x128xf32, #tpu.memory_space<vmem_shared>> -> memref<80x128xf32, #tpu.memory_space<vmem_shared>>
      %dma_start3A_53 = arith.constant 0 : i32
      %dma_start3A_54 = tpu.memref_slice %arg11[%add3A_15, %dma_start3A_53] : memref<10240x128xf32, #tpu.memory_space<vmem_shared>> -> memref<80x128xf32, #tpu.memory_space<vmem_shared>>
      tpu.enqueue_dma source(%arg10 : memref<80x128xf32, #tpu.memory_space<vmem>>) target(%dma_start3A_54 : memref<80x128xf32, #tpu.memory_space<vmem_shared>>) target_semaphore(%run_scoped3A : memref<!tpu.dma_semaphore, #tpu.memory_space<semaphore_mem>>)
      %dma_wait3A = arith.constant 0 : i32
      %dma_wait3A_55 = tpu.memref_slice %arg11[%add3A_15, %dma_wait3A] : memref<10240x128xf32, #tpu.memory_space<vmem_shared>> -> memref<80x128xf32, #tpu.memory_space<vmem_shared>>
      %dma_wait3A_56 = arith.constant 0 : i32
      %dma_wait3A_57 = tpu.memref_slice %arg11[%add3A_15, %dma_wait3A_56] : memref<10240x128xf32, #tpu.memory_space<vmem_shared>> -> memref<80x128xf32, #tpu.memory_space<vmem_shared>>
      tpu.wait_dma2 semaphore(%run_scoped3A : memref<!tpu.dma_semaphore, #tpu.memory_space<semaphore_mem>>) src(%arg10 : memref<80x128xf32, #tpu.memory_space<vmem>>) dst(%dma_wait3A_57 : memref<80x128xf32, #tpu.memory_space<vmem_shared>>)
      tpu.yield
    }) : () -> ()
    %mul3A_16 = arith.constant 640 : i32
    %mul3A_17 = arith.muli %arg1, %mul3A_16 : i32
    %add3A_18 = arith.constant 160 : i32
    %add3A_19 = arith.addi %mul3A_17, %add3A_18 : i32
    "tpu.region"() ({
      %run_scoped3A = tpu.sem_alloc : memref<!tpu.dma_semaphore, #tpu.memory_space<semaphore_mem>>
      %dma_start3A = arith.constant 0 : i32
      %dma_start3A_52 = tpu.memref_slice %arg11[%add3A_19, %dma_start3A] : memref<10240x128xf32, #tpu.memory_space<vmem_shared>> -> memref<80x128xf32, #tpu.memory_space<vmem_shared>>
      %dma_start3A_53 = arith.constant 0 : i32
      %dma_start3A_54 = tpu.memref_slice %arg11[%add3A_19, %dma_start3A_53] : memref<10240x128xf32, #tpu.memory_space<vmem_shared>> -> memref<80x128xf32, #tpu.memory_space<vmem_shared>>
      tpu.enqueue_dma source(%arg10 : memref<80x128xf32, #tpu.memory_space<vmem>>) target(%dma_start3A_54 : memref<80x128xf32, #tpu.memory_space<vmem_shared>>) target_semaphore(%run_scoped3A : memref<!tpu.dma_semaphore, #tpu.memory_space<semaphore_mem>>)
      %dma_wait3A = arith.constant 0 : i32
      %dma_wait3A_55 = tpu.memref_slice %arg11[%add3A_19, %dma_wait3A] : memref<10240x128xf32, #tpu.memory_space<vmem_shared>> -> memref<80x128xf32, #tpu.memory_space<vmem_shared>>
      %dma_wait3A_56 = arith.constant 0 : i32
      %dma_wait3A_57 = tpu.memref_slice %arg11[%add3A_19, %dma_wait3A_56] : memref<10240x128xf32, #tpu.memory_space<vmem_shared>> -> memref<80x128xf32, #tpu.memory_space<vmem_shared>>
      tpu.wait_dma2 semaphore(%run_scoped3A : memref<!tpu.dma_semaphore, #tpu.memory_space<semaphore_mem>>) src(%arg10 : memref<80x128xf32, #tpu.memory_space<vmem>>) dst(%dma_wait3A_57 : memref<80x128xf32, #tpu.memory_space<vmem_shared>>)
      tpu.yield
    }) : () -> ()
    %mul3A_20 = arith.constant 640 : i32
    %mul3A_21 = arith.muli %arg1, %mul3A_20 : i32
    %add3A_22 = arith.constant 240 : i32
    %add3A_23 = arith.addi %mul3A_21, %add3A_22 : i32
    "tpu.region"() ({
      %run_scoped3A = tpu.sem_alloc : memref<!tpu.dma_semaphore, #tpu.memory_space<semaphore_mem>>
      %dma_start3A = arith.constant 0 : i32
      %dma_start3A_52 = tpu.memref_slice %arg11[%add3A_23, %dma_start3A] : memref<10240x128xf32, #tpu.memory_space<vmem_shared>> -> memref<80x128xf32, #tpu.memory_space<vmem_shared>>
      %dma_start3A_53 = arith.constant 0 : i32
      %dma_start3A_54 = tpu.memref_slice %arg11[%add3A_23, %dma_start3A_53] : memref<10240x128xf32, #tpu.memory_space<vmem_shared>> -> memref<80x128xf32, #tpu.memory_space<vmem_shared>>
      tpu.enqueue_dma source(%arg10 : memref<80x128xf32, #tpu.memory_space<vmem>>) target(%dma_start3A_54 : memref<80x128xf32, #tpu.memory_space<vmem_shared>>) target_semaphore(%run_scoped3A : memref<!tpu.dma_semaphore, #tpu.memory_space<semaphore_mem>>)
      %dma_wait3A = arith.constant 0 : i32
      %dma_wait3A_55 = tpu.memref_slice %arg11[%add3A_23, %dma_wait3A] : memref<10240x128xf32, #tpu.memory_space<vmem_shared>> -> memref<80x128xf32, #tpu.memory_space<vmem_shared>>
      %dma_wait3A_56 = arith.constant 0 : i32
      %dma_wait3A_57 = tpu.memref_slice %arg11[%add3A_23, %dma_wait3A_56] : memref<10240x128xf32, #tpu.memory_space<vmem_shared>> -> memref<80x128xf32, #tpu.memory_space<vmem_shared>>
      tpu.wait_dma2 semaphore(%run_scoped3A : memref<!tpu.dma_semaphore, #tpu.memory_space<semaphore_mem>>) src(%arg10 : memref<80x128xf32, #tpu.memory_space<vmem>>) dst(%dma_wait3A_57 : memref<80x128xf32, #tpu.memory_space<vmem_shared>>)
      tpu.yield
    }) : () -> ()
    %mul3A_24 = arith.constant 640 : i32
    %mul3A_25 = arith.muli %arg1, %mul3A_24 : i32
    %add3A_26 = arith.constant 320 : i32
    %add3A_27 = arith.addi %mul3A_25, %add3A_26 : i32
    "tpu.region"() ({
      %run_scoped3A = tpu.sem_alloc : memref<!tpu.dma_semaphore, #tpu.memory_space<semaphore_mem>>
      %dma_start3A = arith.constant 0 : i32
      %dma_start3A_52 = tpu.memref_slice %arg11[%add3A_27, %dma_start3A] : memref<10240x128xf32, #tpu.memory_space<vmem_shared>> -> memref<80x128xf32, #tpu.memory_space<vmem_shared>>
      %dma_start3A_53 = arith.constant 0 : i32
      %dma_start3A_54 = tpu.memref_slice %arg11[%add3A_27, %dma_start3A_53] : memref<10240x128xf32, #tpu.memory_space<vmem_shared>> -> memref<80x128xf32, #tpu.memory_space<vmem_shared>>
      tpu.enqueue_dma source(%arg10 : memref<80x128xf32, #tpu.memory_space<vmem>>) target(%dma_start3A_54 : memref<80x128xf32, #tpu.memory_space<vmem_shared>>) target_semaphore(%run_scoped3A : memref<!tpu.dma_semaphore, #tpu.memory_space<semaphore_mem>>)
      %dma_wait3A = arith.constant 0 : i32
      %dma_wait3A_55 = tpu.memref_slice %arg11[%add3A_27, %dma_wait3A] : memref<10240x128xf32, #tpu.memory_space<vmem_shared>> -> memref<80x128xf32, #tpu.memory_space<vmem_shared>>
      %dma_wait3A_56 = arith.constant 0 : i32
      %dma_wait3A_57 = tpu.memref_slice %arg11[%add3A_27, %dma_wait3A_56] : memref<10240x128xf32, #tpu.memory_space<vmem_shared>> -> memref<80x128xf32, #tpu.memory_space<vmem_shared>>
      tpu.wait_dma2 semaphore(%run_scoped3A : memref<!tpu.dma_semaphore, #tpu.memory_space<semaphore_mem>>) src(%arg10 : memref<80x128xf32, #tpu.memory_space<vmem>>) dst(%dma_wait3A_57 : memref<80x128xf32, #tpu.memory_space<vmem_shared>>)
      tpu.yield
    }) : () -> ()
    %mul3A_28 = arith.constant 640 : i32
    %mul3A_29 = arith.muli %arg1, %mul3A_28 : i32
    %add3A_30 = arith.constant 400 : i32
    %add3A_31 = arith.addi %mul3A_29, %add3A_30 : i32
    "tpu.region"() ({
      %run_scoped3A = tpu.sem_alloc : memref<!tpu.dma_semaphore, #tpu.memory_space<semaphore_mem>>
      %dma_start3A = arith.constant 0 : i32
      %dma_start3A_52 = tpu.memref_slice %arg11[%add3A_31, %dma_start3A] : memref<10240x128xf32, #tpu.memory_space<vmem_shared>> -> memref<80x128xf32, #tpu.memory_space<vmem_shared>>
      %dma_start3A_53 = arith.constant 0 : i32
      %dma_start3A_54 = tpu.memref_slice %arg11[%add3A_31, %dma_start3A_53] : memref<10240x128xf32, #tpu.memory_space<vmem_shared>> -> memref<80x128xf32, #tpu.memory_space<vmem_shared>>
      tpu.enqueue_dma source(%arg10 : memref<80x128xf32, #tpu.memory_space<vmem>>) target(%dma_start3A_54 : memref<80x128xf32, #tpu.memory_space<vmem_shared>>) target_semaphore(%run_scoped3A : memref<!tpu.dma_semaphore, #tpu.memory_space<semaphore_mem>>)
      %dma_wait3A = arith.constant 0 : i32
      %dma_wait3A_55 = tpu.memref_slice %arg11[%add3A_31, %dma_wait3A] : memref<10240x128xf32, #tpu.memory_space<vmem_shared>> -> memref<80x128xf32, #tpu.memory_space<vmem_shared>>
      %dma_wait3A_56 = arith.constant 0 : i32
      %dma_wait3A_57 = tpu.memref_slice %arg11[%add3A_31, %dma_wait3A_56] : memref<10240x128xf32, #tpu.memory_space<vmem_shared>> -> memref<80x128xf32, #tpu.memory_space<vmem_shared>>
      tpu.wait_dma2 semaphore(%run_scoped3A : memref<!tpu.dma_semaphore, #tpu.memory_space<semaphore_mem>>) src(%arg10 : memref<80x128xf32, #tpu.memory_space<vmem>>) dst(%dma_wait3A_57 : memref<80x128xf32, #tpu.memory_space<vmem_shared>>)
      tpu.yield
    }) : () -> ()
    %mul3A_32 = arith.constant 640 : i32
    %mul3A_33 = arith.muli %arg1, %mul3A_32 : i32
    %add3A_34 = arith.constant 480 : i32
    %add3A_35 = arith.addi %mul3A_33, %add3A_34 : i32
    "tpu.region"() ({
      %run_scoped3A = tpu.sem_alloc : memref<!tpu.dma_semaphore, #tpu.memory_space<semaphore_mem>>
      %dma_start3A = arith.constant 0 : i32
      %dma_start3A_52 = tpu.memref_slice %arg11[%add3A_35, %dma_start3A] : memref<10240x128xf32, #tpu.memory_space<vmem_shared>> -> memref<80x128xf32, #tpu.memory_space<vmem_shared>>
      %dma_start3A_53 = arith.constant 0 : i32
      %dma_start3A_54 = tpu.memref_slice %arg11[%add3A_35, %dma_start3A_53] : memref<10240x128xf32, #tpu.memory_space<vmem_shared>> -> memref<80x128xf32, #tpu.memory_space<vmem_shared>>
      tpu.enqueue_dma source(%arg10 : memref<80x128xf32, #tpu.memory_space<vmem>>) target(%dma_start3A_54 : memref<80x128xf32, #tpu.memory_space<vmem_shared>>) target_semaphore(%run_scoped3A : memref<!tpu.dma_semaphore, #tpu.memory_space<semaphore_mem>>)
      %dma_wait3A = arith.constant 0 : i32
      %dma_wait3A_55 = tpu.memref_slice %arg11[%add3A_35, %dma_wait3A] : memref<10240x128xf32, #tpu.memory_space<vmem_shared>> -> memref<80x128xf32, #tpu.memory_space<vmem_shared>>
      %dma_wait3A_56 = arith.constant 0 : i32
      %dma_wait3A_57 = tpu.memref_slice %arg11[%add3A_35, %dma_wait3A_56] : memref<10240x128xf32, #tpu.memory_space<vmem_shared>> -> memref<80x128xf32, #tpu.memory_space<vmem_shared>>
      tpu.wait_dma2 semaphore(%run_scoped3A : memref<!tpu.dma_semaphore, #tpu.memory_space<semaphore_mem>>) src(%arg10 : memref<80x128xf32, #tpu.memory_space<vmem>>) dst(%dma_wait3A_57 : memref<80x128xf32, #tpu.memory_space<vmem_shared>>)
      tpu.yield
    }) : () -> ()
    %mul3A_36 = arith.constant 640 : i32
    %mul3A_37 = arith.muli %arg1, %mul3A_36 : i32
    %add3A_38 = arith.constant 560 : i32
    %add3A_39 = arith.addi %mul3A_37, %add3A_38 : i32
    "tpu.region"() ({
      %run_scoped3A = tpu.sem_alloc : memref<!tpu.dma_semaphore, #tpu.memory_space<semaphore_mem>>
      %dma_start3A = arith.constant 0 : i32
      %dma_start3A_52 = tpu.memref_slice %arg11[%add3A_39, %dma_start3A] : memref<10240x128xf32, #tpu.memory_space<vmem_shared>> -> memref<80x128xf32, #tpu.memory_space<vmem_shared>>
      %dma_start3A_53 = arith.constant 0 : i32
      %dma_start3A_54 = tpu.memref_slice %arg11[%add3A_39, %dma_start3A_53] : memref<10240x128xf32, #tpu.memory_space<vmem_shared>> -> memref<80x128xf32, #tpu.memory_space<vmem_shared>>
      tpu.enqueue_dma source(%arg10 : memref<80x128xf32, #tpu.memory_space<vmem>>) target(%dma_start3A_54 : memref<80x128xf32, #tpu.memory_space<vmem_shared>>) target_semaphore(%run_scoped3A : memref<!tpu.dma_semaphore, #tpu.memory_space<semaphore_mem>>)
      %dma_wait3A = arith.constant 0 : i32
      %dma_wait3A_55 = tpu.memref_slice %arg11[%add3A_39, %dma_wait3A] : memref<10240x128xf32, #tpu.memory_space<vmem_shared>> -> memref<80x128xf32, #tpu.memory_space<vmem_shared>>
      %dma_wait3A_56 = arith.constant 0 : i32
      %dma_wait3A_57 = tpu.memref_slice %arg11[%add3A_39, %dma_wait3A_56] : memref<10240x128xf32, #tpu.memory_space<vmem_shared>> -> memref<80x128xf32, #tpu.memory_space<vmem_shared>>
      tpu.wait_dma2 semaphore(%run_scoped3A : memref<!tpu.dma_semaphore, #tpu.memory_space<semaphore_mem>>) src(%arg10 : memref<80x128xf32, #tpu.memory_space<vmem>>) dst(%dma_wait3A_57 : memref<80x128xf32, #tpu.memory_space<vmem_shared>>)
      tpu.yield
    }) : () -> ()
    %barrier3A = arith.constant 0 : index
    tpu.barrier barrier_id(%barrier3A)
    %scan3A_40 = arith.constant 0 : i32
    %scan3A_41 = arith.constant 0 : i32
    %scan3A_42 = arith.constant 125 : i32
    %scan3A_43 = arith.addi %scan3A_41, %scan3A_42 : i32
    %scan3A_44 = arith.constant 1 : i32
    %scan3A_45 = scf.for %scan3A_52 = %scan3A_41 to %scan3A_43 step %scan3A_44 iter_args(%scan3A_53 = %scan3A_40) -> (i32)  : i32 {
      %mul3A_54 = arith.constant 10000 : i32
      %mul3A_55 = arith.muli %add3A, %mul3A_54 : i32
      %mul3A_56 = arith.constant 80 : i32
      %mul3A_57 = arith.muli %scan3A_52, %mul3A_56 : i32
      %add3A_58 = arith.addi %mul3A_55, %mul3A_57 : i32
      "tpu.region"() ({
        %run_scoped3A = tpu.sem_alloc : memref<!tpu.dma_semaphore, #tpu.memory_space<semaphore_mem>>
        %dma_start3A_71 = tpu.memref_slice %arg3[%add3A_58] : memref<320000xi32, #tpu.memory_space<hbm>> -> memref<80xi32, #tpu.memory_space<hbm>>
        %dma_start3A_72 = tpu.memref_slice %arg3[%add3A_58] : memref<320000xi32, #tpu.memory_space<hbm>> -> memref<80xi32, #tpu.memory_space<hbm>>
        tpu.enqueue_dma source(%dma_start3A_72 : memref<80xi32, #tpu.memory_space<hbm>>) target(%arg7 : memref<80xi32, #tpu.memory_space<vmem>>) target_semaphore(%run_scoped3A : memref<!tpu.dma_semaphore, #tpu.memory_space<semaphore_mem>>)
        %dma_wait3A_73 = tpu.memref_slice %arg3[%add3A_58] : memref<320000xi32, #tpu.memory_space<hbm>> -> memref<80xi32, #tpu.memory_space<hbm>>
        %dma_wait3A_74 = tpu.memref_slice %arg3[%add3A_58] : memref<320000xi32, #tpu.memory_space<hbm>> -> memref<80xi32, #tpu.memory_space<hbm>>
        tpu.wait_dma2 semaphore(%run_scoped3A : memref<!tpu.dma_semaphore, #tpu.memory_space<semaphore_mem>>) src(%dma_wait3A_74 : memref<80xi32, #tpu.memory_space<hbm>>) dst(%arg7 : memref<80xi32, #tpu.memory_space<vmem>>)
        tpu.yield
      }) : () -> ()
      "tpu.region"() ({
        %run_scoped3A = tpu.sem_alloc : memref<!tpu.dma_semaphore, #tpu.memory_space<semaphore_mem>>
        %dma_start3A_71 = tpu.memref_slice %arg4[%add3A_58] : memref<320000xi32, #tpu.memory_space<hbm>> -> memref<80xi32, #tpu.memory_space<hbm>>
        %dma_start3A_72 = tpu.memref_slice %arg4[%add3A_58] : memref<320000xi32, #tpu.memory_space<hbm>> -> memref<80xi32, #tpu.memory_space<hbm>>
        tpu.enqueue_dma source(%dma_start3A_72 : memref<80xi32, #tpu.memory_space<hbm>>) target(%arg8 : memref<80xi32, #tpu.memory_space<vmem>>) target_semaphore(%run_scoped3A : memref<!tpu.dma_semaphore, #tpu.memory_space<semaphore_mem>>)
        %dma_wait3A_73 = tpu.memref_slice %arg4[%add3A_58] : memref<320000xi32, #tpu.memory_space<hbm>> -> memref<80xi32, #tpu.memory_space<hbm>>
        %dma_wait3A_74 = tpu.memref_slice %arg4[%add3A_58] : memref<320000xi32, #tpu.memory_space<hbm>> -> memref<80xi32, #tpu.memory_space<hbm>>
        tpu.wait_dma2 semaphore(%run_scoped3A : memref<!tpu.dma_semaphore, #tpu.memory_space<semaphore_mem>>) src(%dma_wait3A_74 : memref<80xi32, #tpu.memory_space<hbm>>) dst(%arg8 : memref<80xi32, #tpu.memory_space<vmem>>)
        tpu.yield
      }) : () -> ()
      "tpu.region"() ({
        %run_scoped3A = tpu.sem_alloc : memref<!tpu.dma_semaphore, #tpu.memory_space<semaphore_mem>>
        %dma_start3A_71 = tpu.memref_slice %arg5[%add3A_58] : memref<320000xf32, #tpu.memory_space<hbm>> -> memref<80xf32, #tpu.memory_space<hbm>>
        %dma_start3A_72 = tpu.memref_slice %arg5[%add3A_58] : memref<320000xf32, #tpu.memory_space<hbm>> -> memref<80xf32, #tpu.memory_space<hbm>>
        tpu.enqueue_dma source(%dma_start3A_72 : memref<80xf32, #tpu.memory_space<hbm>>) target(%arg9 : memref<80xf32, #tpu.memory_space<vmem>>) target_semaphore(%run_scoped3A : memref<!tpu.dma_semaphore, #tpu.memory_space<semaphore_mem>>)
        %dma_wait3A_73 = tpu.memref_slice %arg5[%add3A_58] : memref<320000xf32, #tpu.memory_space<hbm>> -> memref<80xf32, #tpu.memory_space<hbm>>
        %dma_wait3A_74 = tpu.memref_slice %arg5[%add3A_58] : memref<320000xf32, #tpu.memory_space<hbm>> -> memref<80xf32, #tpu.memory_space<hbm>>
        tpu.wait_dma2 semaphore(%run_scoped3A : memref<!tpu.dma_semaphore, #tpu.memory_space<semaphore_mem>>) src(%dma_wait3A_74 : memref<80xf32, #tpu.memory_space<hbm>>) dst(%arg9 : memref<80xf32, #tpu.memory_space<vmem>>)
        tpu.yield
      }) : () -> ()
      %dma_start3A = arith.constant 0 : i32
      %dma_start3A_59 = arith.constant 0 : i32
      %dma_start3A_60 = tpu.memref_slice %arg2[%dma_start3A, %dma_start3A_59] : memref<10240x128xf32, #tpu.memory_space<hbm>> -> memref<10240x128xf32, #tpu.memory_space<hbm>>
      tpu.enqueue_indirect_dma source(%dma_start3A_60 : memref<10240x128xf32, #tpu.memory_space<hbm>>) target(%arg10 : memref<80x128xf32, #tpu.memory_space<vmem>>) offsets(%arg7 : memref<80xi32, #tpu.memory_space<vmem>>) semaphore(%arg12 : memref<!tpu.dma_semaphore, #tpu.memory_space<semaphore_mem>>)
      %dma_wait3A = arith.constant 0 : i32
      %dma_wait3A_61 = arith.constant 0 : i32
      %dma_wait3A_62 = tpu.memref_slice %arg2[%dma_wait3A, %dma_wait3A_61] : memref<10240x128xf32, #tpu.memory_space<hbm>> -> memref<10240x128xf32, #tpu.memory_space<hbm>>
      tpu.wait_indirect_dma semaphore(%arg12 : memref<!tpu.dma_semaphore, #tpu.memory_space<semaphore_mem>>) src(%dma_wait3A_62 : memref<10240x128xf32, #tpu.memory_space<hbm>>) dst(%arg10 : memref<80x128xf32, #tpu.memory_space<vmem>>)
      %scan3A_63 = arith.constant 0 : i32
      %scan3A_64 = arith.constant 0 : i32
      %scan3A_65 = arith.constant 80 : i32
      %scan3A_66 = arith.addi %scan3A_64, %scan3A_65 : i32
      %scan3A_67 = arith.constant 1 : i32
      %scan3A_68 = scf.for %scan3A_71 = %scan3A_64 to %scan3A_66 step %scan3A_67 iter_args(%scan3A_72 = %scan3A_63) -> (i32)  : i32 {
        %broadcast_in_dim3A_73 = vector.broadcast %scan3A_71 : i32 to vector<16xi32>
        %gather3A = tpu.vector_load_idx %arg9[%broadcast_in_dim3A_73] : memref<80xf32, #tpu.memory_space<vmem>>[vector<16xi32>], vector<16xf32>,
        %get3A = arith.index_cast %scan3A_71 : i32 to index
        %get3A_74 = arith.constant 0 : index
        %get3A_75 = tpu.vector_load %arg10[%get3A, %get3A_74] {strides = array<i32>} : memref<80x128xf32, #tpu.memory_space<vmem>>, vector<16xf32>,
        %mul3A_76 = arith.mulf %get3A_75, %gather3A : vector<16xf32>
        %swap3A = arith.index_cast %scan3A_71 : i32 to index
        %swap3A_77 = arith.constant 0 : index
        %swap3A_78 = tpu.vector_load %arg10[%swap3A, %swap3A_77] {strides = array<i32>} : memref<80x128xf32, #tpu.memory_space<vmem>>, vector<16xf32>,
        tpu.vector_store %arg10[%swap3A, %swap3A_77], %mul3A_76 {strides = array<i32>} : memref<80x128xf32, #tpu.memory_space<vmem>>, vector<16xf32>,
        %get3A_79 = arith.index_cast %scan3A_71 : i32 to index
        %get3A_80 = arith.constant 16 : index
        %get3A_81 = tpu.vector_load %arg10[%get3A_79, %get3A_80] {strides = array<i32>} : memref<80x128xf32, #tpu.memory_space<vmem>>, vector<16xf32>,
        %mul3A_82 = arith.mulf %get3A_81, %gather3A : vector<16xf32>
        %swap3A_83 = arith.index_cast %scan3A_71 : i32 to index
        %swap3A_84 = arith.constant 16 : index
        %swap3A_85 = tpu.vector_load %arg10[%swap3A_83, %swap3A_84] {strides = array<i32>} : memref<80x128xf32, #tpu.memory_space<vmem>>, vector<16xf32>,
        tpu.vector_store %arg10[%swap3A_83, %swap3A_84], %mul3A_82 {strides = array<i32>} : memref<80x128xf32, #tpu.memory_space<vmem>>, vector<16xf32>,
        %get3A_86 = arith.index_cast %scan3A_71 : i32 to index
        %get3A_87 = arith.constant 32 : index
        %get3A_88 = tpu.vector_load %arg10[%get3A_86, %get3A_87] {strides = array<i32>} : memref<80x128xf32, #tpu.memory_space<vmem>>, vector<16xf32>,
        %mul3A_89 = arith.mulf %get3A_88, %gather3A : vector<16xf32>
        %swap3A_90 = arith.index_cast %scan3A_71 : i32 to index
        %swap3A_91 = arith.constant 32 : index
        %swap3A_92 = tpu.vector_load %arg10[%swap3A_90, %swap3A_91] {strides = array<i32>} : memref<80x128xf32, #tpu.memory_space<vmem>>, vector<16xf32>,
        tpu.vector_store %arg10[%swap3A_90, %swap3A_91], %mul3A_89 {strides = array<i32>} : memref<80x128xf32, #tpu.memory_space<vmem>>, vector<16xf32>,
        %get3A_93 = arith.index_cast %scan3A_71 : i32 to index
        %get3A_94 = arith.constant 48 : index
        %get3A_95 = tpu.vector_load %arg10[%get3A_93, %get3A_94] {strides = array<i32>} : memref<80x128xf32, #tpu.memory_space<vmem>>, vector<16xf32>,
        %mul3A_96 = arith.mulf %get3A_95, %gather3A : vector<16xf32>
        %swap3A_97 = arith.index_cast %scan3A_71 : i32 to index
        %swap3A_98 = arith.constant 48 : index
        %swap3A_99 = tpu.vector_load %arg10[%swap3A_97, %swap3A_98] {strides = array<i32>} : memref<80x128xf32, #tpu.memory_space<vmem>>, vector<16xf32>,
        tpu.vector_store %arg10[%swap3A_97, %swap3A_98], %mul3A_96 {strides = array<i32>} : memref<80x128xf32, #tpu.memory_space<vmem>>, vector<16xf32>,
        %get3A_100 = arith.index_cast %scan3A_71 : i32 to index
        %get3A_101 = arith.constant 64 : index
        %get3A_102 = tpu.vector_load %arg10[%get3A_100, %get3A_101] {strides = array<i32>} : memref<80x128xf32, #tpu.memory_space<vmem>>, vector<16xf32>,
        %mul3A_103 = arith.mulf %get3A_102, %gather3A : vector<16xf32>
        %swap3A_104 = arith.index_cast %scan3A_71 : i32 to index
        %swap3A_105 = arith.constant 64 : index
        %swap3A_106 = tpu.vector_load %arg10[%swap3A_104, %swap3A_105] {strides = array<i32>} : memref<80x128xf32, #tpu.memory_space<vmem>>, vector<16xf32>,
        tpu.vector_store %arg10[%swap3A_104, %swap3A_105], %mul3A_103 {strides = array<i32>} : memref<80x128xf32, #tpu.memory_space<vmem>>, vector<16xf32>,
        %get3A_107 = arith.index_cast %scan3A_71 : i32 to index
        %get3A_108 = arith.constant 80 : index
        %get3A_109 = tpu.vector_load %arg10[%get3A_107, %get3A_108] {strides = array<i32>} : memref<80x128xf32, #tpu.memory_space<vmem>>, vector<16xf32>,
        %mul3A_110 = arith.mulf %get3A_109, %gather3A : vector<16xf32>
        %swap3A_111 = arith.index_cast %scan3A_71 : i32 to index
        %swap3A_112 = arith.constant 80 : index
        %swap3A_113 = tpu.vector_load %arg10[%swap3A_111, %swap3A_112] {strides = array<i32>} : memref<80x128xf32, #tpu.memory_space<vmem>>, vector<16xf32>,
        tpu.vector_store %arg10[%swap3A_111, %swap3A_112], %mul3A_110 {strides = array<i32>} : memref<80x128xf32, #tpu.memory_space<vmem>>, vector<16xf32>,
        %get3A_114 = arith.index_cast %scan3A_71 : i32 to index
        %get3A_115 = arith.constant 96 : index
        %get3A_116 = tpu.vector_load %arg10[%get3A_114, %get3A_115] {strides = array<i32>} : memref<80x128xf32, #tpu.memory_space<vmem>>, vector<16xf32>,
        %mul3A_117 = arith.mulf %get3A_116, %gather3A : vector<16xf32>
        %swap3A_118 = arith.index_cast %scan3A_71 : i32 to index
        %swap3A_119 = arith.constant 96 : index
        %swap3A_120 = tpu.vector_load %arg10[%swap3A_118, %swap3A_119] {strides = array<i32>} : memref<80x128xf32, #tpu.memory_space<vmem>>, vector<16xf32>,
        tpu.vector_store %arg10[%swap3A_118, %swap3A_119], %mul3A_117 {strides = array<i32>} : memref<80x128xf32, #tpu.memory_space<vmem>>, vector<16xf32>,
        %get3A_121 = arith.index_cast %scan3A_71 : i32 to index
        %get3A_122 = arith.constant 112 : index
        %get3A_123 = tpu.vector_load %arg10[%get3A_121, %get3A_122] {strides = array<i32>} : memref<80x128xf32, #tpu.memory_space<vmem>>, vector<16xf32>,
        %mul3A_124 = arith.mulf %get3A_123, %gather3A : vector<16xf32>
        %swap3A_125 = arith.index_cast %scan3A_71 : i32 to index
        %swap3A_126 = arith.constant 112 : index
        %swap3A_127 = tpu.vector_load %arg10[%swap3A_125, %swap3A_126] {strides = array<i32>} : memref<80x128xf32, #tpu.memory_space<vmem>>, vector<16xf32>,
        tpu.vector_store %arg10[%swap3A_125, %swap3A_126], %mul3A_124 {strides = array<i32>} : memref<80x128xf32, #tpu.memory_space<vmem>>, vector<16xf32>,
        %scan3A_128 = arith.constant 0 : i32
        scf.yield %scan3A_128 : i32
      }
      %scan3A_69 = arith.constant 80 : i32
      "tpu.region"() ({
        %run_scoped3A = tpu.sem_alloc : memref<!tpu.dma_semaphore, #tpu.memory_space<semaphore_mem>>
        %dma_start3A_71 = arith.constant 0 : i32
        %dma_start3A_72 = arith.constant 0 : i32
        %dma_start3A_73 = tpu.memref_slice %arg11[%dma_start3A_71, %dma_start3A_72] : memref<10240x128xf32, #tpu.memory_space<vmem_shared>> -> memref<10240x128xf32, #tpu.memory_space<vmem_shared>>
        tpu.enqueue_indirect_dma source(%arg10 : memref<80x128xf32, #tpu.memory_space<vmem>>) target(%dma_start3A_73 : memref<10240x128xf32, #tpu.memory_space<vmem_shared>>) offsets(%arg8 : memref<80xi32, #tpu.memory_space<vmem>>) semaphore(%run_scoped3A : memref<!tpu.dma_semaphore, #tpu.memory_space<semaphore_mem>>) {add = true}
        %dma_wait3A_74 = arith.constant 0 : i32
        %dma_wait3A_75 = arith.constant 0 : i32
        %dma_wait3A_76 = tpu.memref_slice %arg11[%dma_wait3A_74, %dma_wait3A_75] : memref<10240x128xf32, #tpu.memory_space<vmem_shared>> -> memref<10240x128xf32, #tpu.memory_space<vmem_shared>>
        tpu.wait_indirect_dma semaphore(%run_scoped3A : memref<!tpu.dma_semaphore, #tpu.memory_space<semaphore_mem>>) src(%arg10 : memref<80x128xf32, #tpu.memory_space<vmem>>) dst(%dma_wait3A_76 : memref<10240x128xf32, #tpu.memory_space<vmem_shared>>)
        tpu.yield
      }) : () -> ()
      %scan3A_70 = arith.constant 0 : i32
      scf.yield %scan3A_70 : i32
    }
    %scan3A_46 = arith.constant 125 : i32
    %barrier3A_47 = arith.constant 0 : index
    tpu.barrier barrier_id(%barrier3A_47)
    %mul3A_48 = arith.constant 640 : i32
    %mul3A_49 = arith.muli %arg1, %mul3A_48 : i32
    %mul3A_50 = arith.constant 640 : i32
    %mul3A_51 = arith.muli %arg1, %mul3A_50 : i32
    "tpu.region"() ({
      %run_scoped3A = tpu.sem_alloc : memref<!tpu.dma_semaphore, #tpu.memory_space<semaphore_mem>>
      %dma_start3A = arith.constant 0 : i32
      %dma_start3A_52 = tpu.memref_slice %arg6[%arg0, %mul3A_51, %dma_start3A] : memref<2x10240x128xf32, #tpu.memory_space<hbm>> -> memref<1x640x128xf32, #tpu.memory_space<hbm>>
      %dma_start3A_53 = tpu.memref_squeeze %dma_start3A_52 : memref<1x640x128xf32, #tpu.memory_space<hbm>> -> memref<640x128xf32, #tpu.memory_space<hbm>>
      %dma_start3A_54 = arith.constant 0 : i32
      %dma_start3A_55 = tpu.memref_slice %arg11[%mul3A_49, %dma_start3A_54] : memref<10240x128xf32, #tpu.memory_space<vmem_shared>> -> memref<640x128xf32, #tpu.memory_space<vmem_shared>>
      tpu.enqueue_dma source(%dma_start3A_55 : memref<640x128xf32, #tpu.memory_space<vmem_shared>>) target(%dma_start3A_53 : memref<640x128xf32, #tpu.memory_space<hbm>>) target_semaphore(%run_scoped3A : memref<!tpu.dma_semaphore, #tpu.memory_space<semaphore_mem>>)
      %dma_wait3A = arith.constant 0 : i32
      %dma_wait3A_56 = tpu.memref_slice %arg6[%arg0, %mul3A_51, %dma_wait3A] : memref<2x10240x128xf32, #tpu.memory_space<hbm>> -> memref<1x640x128xf32, #tpu.memory_space<hbm>>
      %dma_wait3A_57 = tpu.memref_squeeze %dma_wait3A_56 : memref<1x640x128xf32, #tpu.memory_space<hbm>> -> memref<640x128xf32, #tpu.memory_space<hbm>>
      %dma_wait3A_58 = arith.constant 0 : i32
      %dma_wait3A_59 = tpu.memref_slice %arg11[%mul3A_49, %dma_wait3A_58] : memref<10240x128xf32, #tpu.memory_space<vmem_shared>> -> memref<640x128xf32, #tpu.memory_space<vmem_shared>>
      tpu.wait_dma2 semaphore(%run_scoped3A : memref<!tpu.dma_semaphore, #tpu.memory_space<semaphore_mem>>) src(%dma_wait3A_59 : memref<640x128xf32, #tpu.memory_space<vmem_shared>>) dst(%dma_wait3A_57 : memref<640x128xf32, #tpu.memory_space<hbm>>)
      tpu.yield
    }) : () -> ()
    return
  }
}

#map = affine_map<(d0, d1) -> (0, 0)>
#map1 = affine_map<(d0, d1) -> (0)>
#map2 = affine_map<(d0, d1) -> (0, 0, 0)>
module attributes {stable_mosaic.version = 14 : i64} {
  func.func @_sc_edge_pass_body(%arg0: i32, %arg1: i32, %arg2: memref<10240x128xf32, #tpu.memory_space<hbm>>, %arg3: memref<320000xi32, #tpu.memory_space<hbm>>, %arg4: memref<320000xi32, #tpu.memory_space<hbm>>, %arg5: memref<320000xf32, #tpu.memory_space<hbm>>, %arg6: memref<2x10240x128xf32, #tpu.memory_space<hbm>>, %arg7: memref<80xi32, #tpu.memory_space<vmem>>, %arg8: memref<80xi32, #tpu.memory_space<vmem>>, %arg9: memref<80xf32, #tpu.memory_space<vmem>>, %arg10: memref<80x128xf32, #tpu.memory_space<vmem>>, %arg11: memref<10240x128xf32, #tpu.memory_space<vmem_shared>>, %arg12: memref<!tpu.dma_semaphore, #tpu.memory_space<semaphore_mem>>) attributes {dimension_semantics = [#tpu.dimension_semantics<core_parallel>, #tpu.dimension_semantics<subcore_parallel>], iteration_bounds = array<i64: 2, 16>, scalar_prefetch = 0 : i64, scratch_operands = 6 : i64, tpu.core_type = #tpu.core_type<sc_vector_subcore>, window_params = [{transform_indices = #map}, {transform_indices = #map1}, {transform_indices = #map1}, {transform_indices = #map1}, {transform_indices = #map2}]} {
    %mul3A = arith.constant 2 : i32
    %mul3A_0 = arith.muli %arg1, %mul3A : i32
    %add3A = arith.addi %mul3A_0, %arg0 : i32
    %broadcast_in_dim3A = arith.constant 0.000000e+00 : f32
    %broadcast_in_dim3A_1 = vector.broadcast %broadcast_in_dim3A : f32 to vector<16xf32>
    %scan3A = arith.constant 0 : i32
    %scan3A_2 = arith.constant 0 : i32
    %scan3A_3 = arith.constant 80 : i32
    %scan3A_4 = arith.addi %scan3A_2, %scan3A_3 : i32
    %scan3A_5 = arith.constant 1 : i32
    %scan3A_6 = scf.for %scan3A_52 = %scan3A_2 to %scan3A_4 step %scan3A_5 iter_args(%scan3A_53 = %scan3A) -> (i32)  : i32 {
      %swap3A = arith.index_cast %scan3A_52 : i32 to index
      %swap3A_54 = arith.constant 0 : index
      %swap3A_55 = tpu.vector_load %arg10[%swap3A, %swap3A_54] {strides = array<i32>} : memref<80x128xf32, #tpu.memory_space<vmem>>, vector<16xf32>,
      tpu.vector_store %arg10[%swap3A, %swap3A_54], %broadcast_in_dim3A_1 {strides = array<i32>} : memref<80x128xf32, #tpu.memory_space<vmem>>, vector<16xf32>,
      %swap3A_56 = arith.index_cast %scan3A_52 : i32 to index
      %swap3A_57 = arith.constant 16 : index
      %swap3A_58 = tpu.vector_load %arg10[%swap3A_56, %swap3A_57] {strides = array<i32>} : memref<80x128xf32, #tpu.memory_space<vmem>>, vector<16xf32>,
      tpu.vector_store %arg10[%swap3A_56, %swap3A_57], %broadcast_in_dim3A_1 {strides = array<i32>} : memref<80x128xf32, #tpu.memory_space<vmem>>, vector<16xf32>,
      %swap3A_59 = arith.index_cast %scan3A_52 : i32 to index
      %swap3A_60 = arith.constant 32 : index
      %swap3A_61 = tpu.vector_load %arg10[%swap3A_59, %swap3A_60] {strides = array<i32>} : memref<80x128xf32, #tpu.memory_space<vmem>>, vector<16xf32>,
      tpu.vector_store %arg10[%swap3A_59, %swap3A_60], %broadcast_in_dim3A_1 {strides = array<i32>} : memref<80x128xf32, #tpu.memory_space<vmem>>, vector<16xf32>,
      %swap3A_62 = arith.index_cast %scan3A_52 : i32 to index
      %swap3A_63 = arith.constant 48 : index
      %swap3A_64 = tpu.vector_load %arg10[%swap3A_62, %swap3A_63] {strides = array<i32>} : memref<80x128xf32, #tpu.memory_space<vmem>>, vector<16xf32>,
      tpu.vector_store %arg10[%swap3A_62, %swap3A_63], %broadcast_in_dim3A_1 {strides = array<i32>} : memref<80x128xf32, #tpu.memory_space<vmem>>, vector<16xf32>,
      %swap3A_65 = arith.index_cast %scan3A_52 : i32 to index
      %swap3A_66 = arith.constant 64 : index
      %swap3A_67 = tpu.vector_load %arg10[%swap3A_65, %swap3A_66] {strides = array<i32>} : memref<80x128xf32, #tpu.memory_space<vmem>>, vector<16xf32>,
      tpu.vector_store %arg10[%swap3A_65, %swap3A_66], %broadcast_in_dim3A_1 {strides = array<i32>} : memref<80x128xf32, #tpu.memory_space<vmem>>, vector<16xf32>,
      %swap3A_68 = arith.index_cast %scan3A_52 : i32 to index
      %swap3A_69 = arith.constant 80 : index
      %swap3A_70 = tpu.vector_load %arg10[%swap3A_68, %swap3A_69] {strides = array<i32>} : memref<80x128xf32, #tpu.memory_space<vmem>>, vector<16xf32>,
      tpu.vector_store %arg10[%swap3A_68, %swap3A_69], %broadcast_in_dim3A_1 {strides = array<i32>} : memref<80x128xf32, #tpu.memory_space<vmem>>, vector<16xf32>,
      %swap3A_71 = arith.index_cast %scan3A_52 : i32 to index
      %swap3A_72 = arith.constant 96 : index
      %swap3A_73 = tpu.vector_load %arg10[%swap3A_71, %swap3A_72] {strides = array<i32>} : memref<80x128xf32, #tpu.memory_space<vmem>>, vector<16xf32>,
      tpu.vector_store %arg10[%swap3A_71, %swap3A_72], %broadcast_in_dim3A_1 {strides = array<i32>} : memref<80x128xf32, #tpu.memory_space<vmem>>, vector<16xf32>,
      %swap3A_74 = arith.index_cast %scan3A_52 : i32 to index
      %swap3A_75 = arith.constant 112 : index
      %swap3A_76 = tpu.vector_load %arg10[%swap3A_74, %swap3A_75] {strides = array<i32>} : memref<80x128xf32, #tpu.memory_space<vmem>>, vector<16xf32>,
      tpu.vector_store %arg10[%swap3A_74, %swap3A_75], %broadcast_in_dim3A_1 {strides = array<i32>} : memref<80x128xf32, #tpu.memory_space<vmem>>, vector<16xf32>,
      %scan3A_77 = arith.constant 0 : i32
      scf.yield %scan3A_77 : i32
    }
    %scan3A_7 = arith.constant 80 : i32
    %mul3A_8 = arith.constant 640 : i32
    %mul3A_9 = arith.muli %arg1, %mul3A_8 : i32
    %add3A_10 = arith.constant 0 : i32
    %add3A_11 = arith.addi %mul3A_9, %add3A_10 : i32
    "tpu.region"() ({
      %run_scoped3A = tpu.sem_alloc : memref<!tpu.dma_semaphore, #tpu.memory_space<semaphore_mem>>
      %dma_start3A = arith.constant 0 : i32
      %dma_start3A_52 = tpu.memref_slice %arg11[%add3A_11, %dma_start3A] : memref<10240x128xf32, #tpu.memory_space<vmem_shared>> -> memref<80x128xf32, #tpu.memory_space<vmem_shared>>
      %dma_start3A_53 = arith.constant 0 : i32
      %dma_start3A_54 = tpu.memref_slice %arg11[%add3A_11, %dma_start3A_53] : memref<10240x128xf32, #tpu.memory_space<vmem_shared>> -> memref<80x128xf32, #tpu.memory_space<vmem_shared>>
      tpu.enqueue_dma source(%arg10 : memref<80x128xf32, #tpu.memory_space<vmem>>) target(%dma_start3A_54 : memref<80x128xf32, #tpu.memory_space<vmem_shared>>) target_semaphore(%run_scoped3A : memref<!tpu.dma_semaphore, #tpu.memory_space<semaphore_mem>>)
      %dma_wait3A = arith.constant 0 : i32
      %dma_wait3A_55 = tpu.memref_slice %arg11[%add3A_11, %dma_wait3A] : memref<10240x128xf32, #tpu.memory_space<vmem_shared>> -> memref<80x128xf32, #tpu.memory_space<vmem_shared>>
      %dma_wait3A_56 = arith.constant 0 : i32
      %dma_wait3A_57 = tpu.memref_slice %arg11[%add3A_11, %dma_wait3A_56] : memref<10240x128xf32, #tpu.memory_space<vmem_shared>> -> memref<80x128xf32, #tpu.memory_space<vmem_shared>>
      tpu.wait_dma2 semaphore(%run_scoped3A : memref<!tpu.dma_semaphore, #tpu.memory_space<semaphore_mem>>) src(%arg10 : memref<80x128xf32, #tpu.memory_space<vmem>>) dst(%dma_wait3A_57 : memref<80x128xf32, #tpu.memory_space<vmem_shared>>)
      tpu.yield
    }) : () -> ()
    %mul3A_12 = arith.constant 640 : i32
    %mul3A_13 = arith.muli %arg1, %mul3A_12 : i32
    %add3A_14 = arith.constant 80 : i32
    %add3A_15 = arith.addi %mul3A_13, %add3A_14 : i32
    "tpu.region"() ({
      %run_scoped3A = tpu.sem_alloc : memref<!tpu.dma_semaphore, #tpu.memory_space<semaphore_mem>>
      %dma_start3A = arith.constant 0 : i32
      %dma_start3A_52 = tpu.memref_slice %arg11[%add3A_15, %dma_start3A] : memref<10240x128xf32, #tpu.memory_space<vmem_shared>> -> memref<80x128xf32, #tpu.memory_space<vmem_shared>>
      %dma_start3A_53 = arith.constant 0 : i32
      %dma_start3A_54 = tpu.memref_slice %arg11[%add3A_15, %dma_start3A_53] : memref<10240x128xf32, #tpu.memory_space<vmem_shared>> -> memref<80x128xf32, #tpu.memory_space<vmem_shared>>
      tpu.enqueue_dma source(%arg10 : memref<80x128xf32, #tpu.memory_space<vmem>>) target(%dma_start3A_54 : memref<80x128xf32, #tpu.memory_space<vmem_shared>>) target_semaphore(%run_scoped3A : memref<!tpu.dma_semaphore, #tpu.memory_space<semaphore_mem>>)
      %dma_wait3A = arith.constant 0 : i32
      %dma_wait3A_55 = tpu.memref_slice %arg11[%add3A_15, %dma_wait3A] : memref<10240x128xf32, #tpu.memory_space<vmem_shared>> -> memref<80x128xf32, #tpu.memory_space<vmem_shared>>
      %dma_wait3A_56 = arith.constant 0 : i32
      %dma_wait3A_57 = tpu.memref_slice %arg11[%add3A_15, %dma_wait3A_56] : memref<10240x128xf32, #tpu.memory_space<vmem_shared>> -> memref<80x128xf32, #tpu.memory_space<vmem_shared>>
      tpu.wait_dma2 semaphore(%run_scoped3A : memref<!tpu.dma_semaphore, #tpu.memory_space<semaphore_mem>>) src(%arg10 : memref<80x128xf32, #tpu.memory_space<vmem>>) dst(%dma_wait3A_57 : memref<80x128xf32, #tpu.memory_space<vmem_shared>>)
      tpu.yield
    }) : () -> ()
    %mul3A_16 = arith.constant 640 : i32
    %mul3A_17 = arith.muli %arg1, %mul3A_16 : i32
    %add3A_18 = arith.constant 160 : i32
    %add3A_19 = arith.addi %mul3A_17, %add3A_18 : i32
    "tpu.region"() ({
      %run_scoped3A = tpu.sem_alloc : memref<!tpu.dma_semaphore, #tpu.memory_space<semaphore_mem>>
      %dma_start3A = arith.constant 0 : i32
      %dma_start3A_52 = tpu.memref_slice %arg11[%add3A_19, %dma_start3A] : memref<10240x128xf32, #tpu.memory_space<vmem_shared>> -> memref<80x128xf32, #tpu.memory_space<vmem_shared>>
      %dma_start3A_53 = arith.constant 0 : i32
      %dma_start3A_54 = tpu.memref_slice %arg11[%add3A_19, %dma_start3A_53] : memref<10240x128xf32, #tpu.memory_space<vmem_shared>> -> memref<80x128xf32, #tpu.memory_space<vmem_shared>>
      tpu.enqueue_dma source(%arg10 : memref<80x128xf32, #tpu.memory_space<vmem>>) target(%dma_start3A_54 : memref<80x128xf32, #tpu.memory_space<vmem_shared>>) target_semaphore(%run_scoped3A : memref<!tpu.dma_semaphore, #tpu.memory_space<semaphore_mem>>)
      %dma_wait3A = arith.constant 0 : i32
      %dma_wait3A_55 = tpu.memref_slice %arg11[%add3A_19, %dma_wait3A] : memref<10240x128xf32, #tpu.memory_space<vmem_shared>> -> memref<80x128xf32, #tpu.memory_space<vmem_shared>>
      %dma_wait3A_56 = arith.constant 0 : i32
      %dma_wait3A_57 = tpu.memref_slice %arg11[%add3A_19, %dma_wait3A_56] : memref<10240x128xf32, #tpu.memory_space<vmem_shared>> -> memref<80x128xf32, #tpu.memory_space<vmem_shared>>
      tpu.wait_dma2 semaphore(%run_scoped3A : memref<!tpu.dma_semaphore, #tpu.memory_space<semaphore_mem>>) src(%arg10 : memref<80x128xf32, #tpu.memory_space<vmem>>) dst(%dma_wait3A_57 : memref<80x128xf32, #tpu.memory_space<vmem_shared>>)
      tpu.yield
    }) : () -> ()
    %mul3A_20 = arith.constant 640 : i32
    %mul3A_21 = arith.muli %arg1, %mul3A_20 : i32
    %add3A_22 = arith.constant 240 : i32
    %add3A_23 = arith.addi %mul3A_21, %add3A_22 : i32
    "tpu.region"() ({
      %run_scoped3A = tpu.sem_alloc : memref<!tpu.dma_semaphore, #tpu.memory_space<semaphore_mem>>
      %dma_start3A = arith.constant 0 : i32
      %dma_start3A_52 = tpu.memref_slice %arg11[%add3A_23, %dma_start3A] : memref<10240x128xf32, #tpu.memory_space<vmem_shared>> -> memref<80x128xf32, #tpu.memory_space<vmem_shared>>
      %dma_start3A_53 = arith.constant 0 : i32
      %dma_start3A_54 = tpu.memref_slice %arg11[%add3A_23, %dma_start3A_53] : memref<10240x128xf32, #tpu.memory_space<vmem_shared>> -> memref<80x128xf32, #tpu.memory_space<vmem_shared>>
      tpu.enqueue_dma source(%arg10 : memref<80x128xf32, #tpu.memory_space<vmem>>) target(%dma_start3A_54 : memref<80x128xf32, #tpu.memory_space<vmem_shared>>) target_semaphore(%run_scoped3A : memref<!tpu.dma_semaphore, #tpu.memory_space<semaphore_mem>>)
      %dma_wait3A = arith.constant 0 : i32
      %dma_wait3A_55 = tpu.memref_slice %arg11[%add3A_23, %dma_wait3A] : memref<10240x128xf32, #tpu.memory_space<vmem_shared>> -> memref<80x128xf32, #tpu.memory_space<vmem_shared>>
      %dma_wait3A_56 = arith.constant 0 : i32
      %dma_wait3A_57 = tpu.memref_slice %arg11[%add3A_23, %dma_wait3A_56] : memref<10240x128xf32, #tpu.memory_space<vmem_shared>> -> memref<80x128xf32, #tpu.memory_space<vmem_shared>>
      tpu.wait_dma2 semaphore(%run_scoped3A : memref<!tpu.dma_semaphore, #tpu.memory_space<semaphore_mem>>) src(%arg10 : memref<80x128xf32, #tpu.memory_space<vmem>>) dst(%dma_wait3A_57 : memref<80x128xf32, #tpu.memory_space<vmem_shared>>)
      tpu.yield
    }) : () -> ()
    %mul3A_24 = arith.constant 640 : i32
    %mul3A_25 = arith.muli %arg1, %mul3A_24 : i32
    %add3A_26 = arith.constant 320 : i32
    %add3A_27 = arith.addi %mul3A_25, %add3A_26 : i32
    "tpu.region"() ({
      %run_scoped3A = tpu.sem_alloc : memref<!tpu.dma_semaphore, #tpu.memory_space<semaphore_mem>>
      %dma_start3A = arith.constant 0 : i32
      %dma_start3A_52 = tpu.memref_slice %arg11[%add3A_27, %dma_start3A] : memref<10240x128xf32, #tpu.memory_space<vmem_shared>> -> memref<80x128xf32, #tpu.memory_space<vmem_shared>>
      %dma_start3A_53 = arith.constant 0 : i32
      %dma_start3A_54 = tpu.memref_slice %arg11[%add3A_27, %dma_start3A_53] : memref<10240x128xf32, #tpu.memory_space<vmem_shared>> -> memref<80x128xf32, #tpu.memory_space<vmem_shared>>
      tpu.enqueue_dma source(%arg10 : memref<80x128xf32, #tpu.memory_space<vmem>>) target(%dma_start3A_54 : memref<80x128xf32, #tpu.memory_space<vmem_shared>>) target_semaphore(%run_scoped3A : memref<!tpu.dma_semaphore, #tpu.memory_space<semaphore_mem>>)
      %dma_wait3A = arith.constant 0 : i32
      %dma_wait3A_55 = tpu.memref_slice %arg11[%add3A_27, %dma_wait3A] : memref<10240x128xf32, #tpu.memory_space<vmem_shared>> -> memref<80x128xf32, #tpu.memory_space<vmem_shared>>
      %dma_wait3A_56 = arith.constant 0 : i32
      %dma_wait3A_57 = tpu.memref_slice %arg11[%add3A_27, %dma_wait3A_56] : memref<10240x128xf32, #tpu.memory_space<vmem_shared>> -> memref<80x128xf32, #tpu.memory_space<vmem_shared>>
      tpu.wait_dma2 semaphore(%run_scoped3A : memref<!tpu.dma_semaphore, #tpu.memory_space<semaphore_mem>>) src(%arg10 : memref<80x128xf32, #tpu.memory_space<vmem>>) dst(%dma_wait3A_57 : memref<80x128xf32, #tpu.memory_space<vmem_shared>>)
      tpu.yield
    }) : () -> ()
    %mul3A_28 = arith.constant 640 : i32
    %mul3A_29 = arith.muli %arg1, %mul3A_28 : i32
    %add3A_30 = arith.constant 400 : i32
    %add3A_31 = arith.addi %mul3A_29, %add3A_30 : i32
    "tpu.region"() ({
      %run_scoped3A = tpu.sem_alloc : memref<!tpu.dma_semaphore, #tpu.memory_space<semaphore_mem>>
      %dma_start3A = arith.constant 0 : i32
      %dma_start3A_52 = tpu.memref_slice %arg11[%add3A_31, %dma_start3A] : memref<10240x128xf32, #tpu.memory_space<vmem_shared>> -> memref<80x128xf32, #tpu.memory_space<vmem_shared>>
      %dma_start3A_53 = arith.constant 0 : i32
      %dma_start3A_54 = tpu.memref_slice %arg11[%add3A_31, %dma_start3A_53] : memref<10240x128xf32, #tpu.memory_space<vmem_shared>> -> memref<80x128xf32, #tpu.memory_space<vmem_shared>>
      tpu.enqueue_dma source(%arg10 : memref<80x128xf32, #tpu.memory_space<vmem>>) target(%dma_start3A_54 : memref<80x128xf32, #tpu.memory_space<vmem_shared>>) target_semaphore(%run_scoped3A : memref<!tpu.dma_semaphore, #tpu.memory_space<semaphore_mem>>)
      %dma_wait3A = arith.constant 0 : i32
      %dma_wait3A_55 = tpu.memref_slice %arg11[%add3A_31, %dma_wait3A] : memref<10240x128xf32, #tpu.memory_space<vmem_shared>> -> memref<80x128xf32, #tpu.memory_space<vmem_shared>>
      %dma_wait3A_56 = arith.constant 0 : i32
      %dma_wait3A_57 = tpu.memref_slice %arg11[%add3A_31, %dma_wait3A_56] : memref<10240x128xf32, #tpu.memory_space<vmem_shared>> -> memref<80x128xf32, #tpu.memory_space<vmem_shared>>
      tpu.wait_dma2 semaphore(%run_scoped3A : memref<!tpu.dma_semaphore, #tpu.memory_space<semaphore_mem>>) src(%arg10 : memref<80x128xf32, #tpu.memory_space<vmem>>) dst(%dma_wait3A_57 : memref<80x128xf32, #tpu.memory_space<vmem_shared>>)
      tpu.yield
    }) : () -> ()
    %mul3A_32 = arith.constant 640 : i32
    %mul3A_33 = arith.muli %arg1, %mul3A_32 : i32
    %add3A_34 = arith.constant 480 : i32
    %add3A_35 = arith.addi %mul3A_33, %add3A_34 : i32
    "tpu.region"() ({
      %run_scoped3A = tpu.sem_alloc : memref<!tpu.dma_semaphore, #tpu.memory_space<semaphore_mem>>
      %dma_start3A = arith.constant 0 : i32
      %dma_start3A_52 = tpu.memref_slice %arg11[%add3A_35, %dma_start3A] : memref<10240x128xf32, #tpu.memory_space<vmem_shared>> -> memref<80x128xf32, #tpu.memory_space<vmem_shared>>
      %dma_start3A_53 = arith.constant 0 : i32
      %dma_start3A_54 = tpu.memref_slice %arg11[%add3A_35, %dma_start3A_53] : memref<10240x128xf32, #tpu.memory_space<vmem_shared>> -> memref<80x128xf32, #tpu.memory_space<vmem_shared>>
      tpu.enqueue_dma source(%arg10 : memref<80x128xf32, #tpu.memory_space<vmem>>) target(%dma_start3A_54 : memref<80x128xf32, #tpu.memory_space<vmem_shared>>) target_semaphore(%run_scoped3A : memref<!tpu.dma_semaphore, #tpu.memory_space<semaphore_mem>>)
      %dma_wait3A = arith.constant 0 : i32
      %dma_wait3A_55 = tpu.memref_slice %arg11[%add3A_35, %dma_wait3A] : memref<10240x128xf32, #tpu.memory_space<vmem_shared>> -> memref<80x128xf32, #tpu.memory_space<vmem_shared>>
      %dma_wait3A_56 = arith.constant 0 : i32
      %dma_wait3A_57 = tpu.memref_slice %arg11[%add3A_35, %dma_wait3A_56] : memref<10240x128xf32, #tpu.memory_space<vmem_shared>> -> memref<80x128xf32, #tpu.memory_space<vmem_shared>>
      tpu.wait_dma2 semaphore(%run_scoped3A : memref<!tpu.dma_semaphore, #tpu.memory_space<semaphore_mem>>) src(%arg10 : memref<80x128xf32, #tpu.memory_space<vmem>>) dst(%dma_wait3A_57 : memref<80x128xf32, #tpu.memory_space<vmem_shared>>)
      tpu.yield
    }) : () -> ()
    %mul3A_36 = arith.constant 640 : i32
    %mul3A_37 = arith.muli %arg1, %mul3A_36 : i32
    %add3A_38 = arith.constant 560 : i32
    %add3A_39 = arith.addi %mul3A_37, %add3A_38 : i32
    "tpu.region"() ({
      %run_scoped3A = tpu.sem_alloc : memref<!tpu.dma_semaphore, #tpu.memory_space<semaphore_mem>>
      %dma_start3A = arith.constant 0 : i32
      %dma_start3A_52 = tpu.memref_slice %arg11[%add3A_39, %dma_start3A] : memref<10240x128xf32, #tpu.memory_space<vmem_shared>> -> memref<80x128xf32, #tpu.memory_space<vmem_shared>>
      %dma_start3A_53 = arith.constant 0 : i32
      %dma_start3A_54 = tpu.memref_slice %arg11[%add3A_39, %dma_start3A_53] : memref<10240x128xf32, #tpu.memory_space<vmem_shared>> -> memref<80x128xf32, #tpu.memory_space<vmem_shared>>
      tpu.enqueue_dma source(%arg10 : memref<80x128xf32, #tpu.memory_space<vmem>>) target(%dma_start3A_54 : memref<80x128xf32, #tpu.memory_space<vmem_shared>>) target_semaphore(%run_scoped3A : memref<!tpu.dma_semaphore, #tpu.memory_space<semaphore_mem>>)
      %dma_wait3A = arith.constant 0 : i32
      %dma_wait3A_55 = tpu.memref_slice %arg11[%add3A_39, %dma_wait3A] : memref<10240x128xf32, #tpu.memory_space<vmem_shared>> -> memref<80x128xf32, #tpu.memory_space<vmem_shared>>
      %dma_wait3A_56 = arith.constant 0 : i32
      %dma_wait3A_57 = tpu.memref_slice %arg11[%add3A_39, %dma_wait3A_56] : memref<10240x128xf32, #tpu.memory_space<vmem_shared>> -> memref<80x128xf32, #tpu.memory_space<vmem_shared>>
      tpu.wait_dma2 semaphore(%run_scoped3A : memref<!tpu.dma_semaphore, #tpu.memory_space<semaphore_mem>>) src(%arg10 : memref<80x128xf32, #tpu.memory_space<vmem>>) dst(%dma_wait3A_57 : memref<80x128xf32, #tpu.memory_space<vmem_shared>>)
      tpu.yield
    }) : () -> ()
    %barrier3A = arith.constant 0 : index
    tpu.barrier barrier_id(%barrier3A)
    %scan3A_40 = arith.constant 0 : i32
    %scan3A_41 = arith.constant 0 : i32
    %scan3A_42 = arith.constant 125 : i32
    %scan3A_43 = arith.addi %scan3A_41, %scan3A_42 : i32
    %scan3A_44 = arith.constant 1 : i32
    %scan3A_45 = scf.for %scan3A_52 = %scan3A_41 to %scan3A_43 step %scan3A_44 iter_args(%scan3A_53 = %scan3A_40) -> (i32)  : i32 {
      %mul3A_54 = arith.constant 10000 : i32
      %mul3A_55 = arith.muli %add3A, %mul3A_54 : i32
      %mul3A_56 = arith.constant 80 : i32
      %mul3A_57 = arith.muli %scan3A_52, %mul3A_56 : i32
      %add3A_58 = arith.addi %mul3A_55, %mul3A_57 : i32
      "tpu.region"() ({
        %run_scoped3A = tpu.sem_alloc : memref<!tpu.dma_semaphore, #tpu.memory_space<semaphore_mem>>
        %dma_start3A_71 = tpu.memref_slice %arg3[%add3A_58] : memref<320000xi32, #tpu.memory_space<hbm>> -> memref<80xi32, #tpu.memory_space<hbm>>
        %dma_start3A_72 = tpu.memref_slice %arg3[%add3A_58] : memref<320000xi32, #tpu.memory_space<hbm>> -> memref<80xi32, #tpu.memory_space<hbm>>
        tpu.enqueue_dma source(%dma_start3A_72 : memref<80xi32, #tpu.memory_space<hbm>>) target(%arg7 : memref<80xi32, #tpu.memory_space<vmem>>) target_semaphore(%run_scoped3A : memref<!tpu.dma_semaphore, #tpu.memory_space<semaphore_mem>>)
        %dma_wait3A_73 = tpu.memref_slice %arg3[%add3A_58] : memref<320000xi32, #tpu.memory_space<hbm>> -> memref<80xi32, #tpu.memory_space<hbm>>
        %dma_wait3A_74 = tpu.memref_slice %arg3[%add3A_58] : memref<320000xi32, #tpu.memory_space<hbm>> -> memref<80xi32, #tpu.memory_space<hbm>>
        tpu.wait_dma2 semaphore(%run_scoped3A : memref<!tpu.dma_semaphore, #tpu.memory_space<semaphore_mem>>) src(%dma_wait3A_74 : memref<80xi32, #tpu.memory_space<hbm>>) dst(%arg7 : memref<80xi32, #tpu.memory_space<vmem>>)
        tpu.yield
      }) : () -> ()
      "tpu.region"() ({
        %run_scoped3A = tpu.sem_alloc : memref<!tpu.dma_semaphore, #tpu.memory_space<semaphore_mem>>
        %dma_start3A_71 = tpu.memref_slice %arg4[%add3A_58] : memref<320000xi32, #tpu.memory_space<hbm>> -> memref<80xi32, #tpu.memory_space<hbm>>
        %dma_start3A_72 = tpu.memref_slice %arg4[%add3A_58] : memref<320000xi32, #tpu.memory_space<hbm>> -> memref<80xi32, #tpu.memory_space<hbm>>
        tpu.enqueue_dma source(%dma_start3A_72 : memref<80xi32, #tpu.memory_space<hbm>>) target(%arg8 : memref<80xi32, #tpu.memory_space<vmem>>) target_semaphore(%run_scoped3A : memref<!tpu.dma_semaphore, #tpu.memory_space<semaphore_mem>>)
        %dma_wait3A_73 = tpu.memref_slice %arg4[%add3A_58] : memref<320000xi32, #tpu.memory_space<hbm>> -> memref<80xi32, #tpu.memory_space<hbm>>
        %dma_wait3A_74 = tpu.memref_slice %arg4[%add3A_58] : memref<320000xi32, #tpu.memory_space<hbm>> -> memref<80xi32, #tpu.memory_space<hbm>>
        tpu.wait_dma2 semaphore(%run_scoped3A : memref<!tpu.dma_semaphore, #tpu.memory_space<semaphore_mem>>) src(%dma_wait3A_74 : memref<80xi32, #tpu.memory_space<hbm>>) dst(%arg8 : memref<80xi32, #tpu.memory_space<vmem>>)
        tpu.yield
      }) : () -> ()
      "tpu.region"() ({
        %run_scoped3A = tpu.sem_alloc : memref<!tpu.dma_semaphore, #tpu.memory_space<semaphore_mem>>
        %dma_start3A_71 = tpu.memref_slice %arg5[%add3A_58] : memref<320000xf32, #tpu.memory_space<hbm>> -> memref<80xf32, #tpu.memory_space<hbm>>
        %dma_start3A_72 = tpu.memref_slice %arg5[%add3A_58] : memref<320000xf32, #tpu.memory_space<hbm>> -> memref<80xf32, #tpu.memory_space<hbm>>
        tpu.enqueue_dma source(%dma_start3A_72 : memref<80xf32, #tpu.memory_space<hbm>>) target(%arg9 : memref<80xf32, #tpu.memory_space<vmem>>) target_semaphore(%run_scoped3A : memref<!tpu.dma_semaphore, #tpu.memory_space<semaphore_mem>>)
        %dma_wait3A_73 = tpu.memref_slice %arg5[%add3A_58] : memref<320000xf32, #tpu.memory_space<hbm>> -> memref<80xf32, #tpu.memory_space<hbm>>
        %dma_wait3A_74 = tpu.memref_slice %arg5[%add3A_58] : memref<320000xf32, #tpu.memory_space<hbm>> -> memref<80xf32, #tpu.memory_space<hbm>>
        tpu.wait_dma2 semaphore(%run_scoped3A : memref<!tpu.dma_semaphore, #tpu.memory_space<semaphore_mem>>) src(%dma_wait3A_74 : memref<80xf32, #tpu.memory_space<hbm>>) dst(%arg9 : memref<80xf32, #tpu.memory_space<vmem>>)
        tpu.yield
      }) : () -> ()
      %dma_start3A = arith.constant 0 : i32
      %dma_start3A_59 = arith.constant 0 : i32
      %dma_start3A_60 = tpu.memref_slice %arg2[%dma_start3A, %dma_start3A_59] : memref<10240x128xf32, #tpu.memory_space<hbm>> -> memref<10240x128xf32, #tpu.memory_space<hbm>>
      tpu.enqueue_indirect_dma source(%dma_start3A_60 : memref<10240x128xf32, #tpu.memory_space<hbm>>) target(%arg10 : memref<80x128xf32, #tpu.memory_space<vmem>>) offsets(%arg7 : memref<80xi32, #tpu.memory_space<vmem>>) semaphore(%arg12 : memref<!tpu.dma_semaphore, #tpu.memory_space<semaphore_mem>>)
      %dma_wait3A = arith.constant 0 : i32
      %dma_wait3A_61 = arith.constant 0 : i32
      %dma_wait3A_62 = tpu.memref_slice %arg2[%dma_wait3A, %dma_wait3A_61] : memref<10240x128xf32, #tpu.memory_space<hbm>> -> memref<10240x128xf32, #tpu.memory_space<hbm>>
      tpu.wait_indirect_dma semaphore(%arg12 : memref<!tpu.dma_semaphore, #tpu.memory_space<semaphore_mem>>) src(%dma_wait3A_62 : memref<10240x128xf32, #tpu.memory_space<hbm>>) dst(%arg10 : memref<80x128xf32, #tpu.memory_space<vmem>>)
      %scan3A_63 = arith.constant 0 : i32
      %scan3A_64 = arith.constant 0 : i32
      %scan3A_65 = arith.constant 80 : i32
      %scan3A_66 = arith.addi %scan3A_64, %scan3A_65 : i32
      %scan3A_67 = arith.constant 1 : i32
      %scan3A_68 = scf.for %scan3A_71 = %scan3A_64 to %scan3A_66 step %scan3A_67 iter_args(%scan3A_72 = %scan3A_63) -> (i32)  : i32 {
        %broadcast_in_dim3A_73 = vector.broadcast %scan3A_71 : i32 to vector<16xi32>
        %gather3A = tpu.vector_load_idx %arg9[%broadcast_in_dim3A_73] : memref<80xf32, #tpu.memory_space<vmem>>[vector<16xi32>], vector<16xf32>,
        %get3A = arith.index_cast %scan3A_71 : i32 to index
        %get3A_74 = arith.constant 0 : index
        %get3A_75 = tpu.vector_load %arg10[%get3A, %get3A_74] {strides = array<i32>} : memref<80x128xf32, #tpu.memory_space<vmem>>, vector<16xf32>,
        %mul3A_76 = arith.mulf %get3A_75, %gather3A : vector<16xf32>
        %swap3A = arith.index_cast %scan3A_71 : i32 to index
        %swap3A_77 = arith.constant 0 : index
        %swap3A_78 = tpu.vector_load %arg10[%swap3A, %swap3A_77] {strides = array<i32>} : memref<80x128xf32, #tpu.memory_space<vmem>>, vector<16xf32>,
        tpu.vector_store %arg10[%swap3A, %swap3A_77], %mul3A_76 {strides = array<i32>} : memref<80x128xf32, #tpu.memory_space<vmem>>, vector<16xf32>,
        %get3A_79 = arith.index_cast %scan3A_71 : i32 to index
        %get3A_80 = arith.constant 16 : index
        %get3A_81 = tpu.vector_load %arg10[%get3A_79, %get3A_80] {strides = array<i32>} : memref<80x128xf32, #tpu.memory_space<vmem>>, vector<16xf32>,
        %mul3A_82 = arith.mulf %get3A_81, %gather3A : vector<16xf32>
        %swap3A_83 = arith.index_cast %scan3A_71 : i32 to index
        %swap3A_84 = arith.constant 16 : index
        %swap3A_85 = tpu.vector_load %arg10[%swap3A_83, %swap3A_84] {strides = array<i32>} : memref<80x128xf32, #tpu.memory_space<vmem>>, vector<16xf32>,
        tpu.vector_store %arg10[%swap3A_83, %swap3A_84], %mul3A_82 {strides = array<i32>} : memref<80x128xf32, #tpu.memory_space<vmem>>, vector<16xf32>,
        %get3A_86 = arith.index_cast %scan3A_71 : i32 to index
        %get3A_87 = arith.constant 32 : index
        %get3A_88 = tpu.vector_load %arg10[%get3A_86, %get3A_87] {strides = array<i32>} : memref<80x128xf32, #tpu.memory_space<vmem>>, vector<16xf32>,
        %mul3A_89 = arith.mulf %get3A_88, %gather3A : vector<16xf32>
        %swap3A_90 = arith.index_cast %scan3A_71 : i32 to index
        %swap3A_91 = arith.constant 32 : index
        %swap3A_92 = tpu.vector_load %arg10[%swap3A_90, %swap3A_91] {strides = array<i32>} : memref<80x128xf32, #tpu.memory_space<vmem>>, vector<16xf32>,
        tpu.vector_store %arg10[%swap3A_90, %swap3A_91], %mul3A_89 {strides = array<i32>} : memref<80x128xf32, #tpu.memory_space<vmem>>, vector<16xf32>,
        %get3A_93 = arith.index_cast %scan3A_71 : i32 to index
        %get3A_94 = arith.constant 48 : index
        %get3A_95 = tpu.vector_load %arg10[%get3A_93, %get3A_94] {strides = array<i32>} : memref<80x128xf32, #tpu.memory_space<vmem>>, vector<16xf32>,
        %mul3A_96 = arith.mulf %get3A_95, %gather3A : vector<16xf32>
        %swap3A_97 = arith.index_cast %scan3A_71 : i32 to index
        %swap3A_98 = arith.constant 48 : index
        %swap3A_99 = tpu.vector_load %arg10[%swap3A_97, %swap3A_98] {strides = array<i32>} : memref<80x128xf32, #tpu.memory_space<vmem>>, vector<16xf32>,
        tpu.vector_store %arg10[%swap3A_97, %swap3A_98], %mul3A_96 {strides = array<i32>} : memref<80x128xf32, #tpu.memory_space<vmem>>, vector<16xf32>,
        %get3A_100 = arith.index_cast %scan3A_71 : i32 to index
        %get3A_101 = arith.constant 64 : index
        %get3A_102 = tpu.vector_load %arg10[%get3A_100, %get3A_101] {strides = array<i32>} : memref<80x128xf32, #tpu.memory_space<vmem>>, vector<16xf32>,
        %mul3A_103 = arith.mulf %get3A_102, %gather3A : vector<16xf32>
        %swap3A_104 = arith.index_cast %scan3A_71 : i32 to index
        %swap3A_105 = arith.constant 64 : index
        %swap3A_106 = tpu.vector_load %arg10[%swap3A_104, %swap3A_105] {strides = array<i32>} : memref<80x128xf32, #tpu.memory_space<vmem>>, vector<16xf32>,
        tpu.vector_store %arg10[%swap3A_104, %swap3A_105], %mul3A_103 {strides = array<i32>} : memref<80x128xf32, #tpu.memory_space<vmem>>, vector<16xf32>,
        %get3A_107 = arith.index_cast %scan3A_71 : i32 to index
        %get3A_108 = arith.constant 80 : index
        %get3A_109 = tpu.vector_load %arg10[%get3A_107, %get3A_108] {strides = array<i32>} : memref<80x128xf32, #tpu.memory_space<vmem>>, vector<16xf32>,
        %mul3A_110 = arith.mulf %get3A_109, %gather3A : vector<16xf32>
        %swap3A_111 = arith.index_cast %scan3A_71 : i32 to index
        %swap3A_112 = arith.constant 80 : index
        %swap3A_113 = tpu.vector_load %arg10[%swap3A_111, %swap3A_112] {strides = array<i32>} : memref<80x128xf32, #tpu.memory_space<vmem>>, vector<16xf32>,
        tpu.vector_store %arg10[%swap3A_111, %swap3A_112], %mul3A_110 {strides = array<i32>} : memref<80x128xf32, #tpu.memory_space<vmem>>, vector<16xf32>,
        %get3A_114 = arith.index_cast %scan3A_71 : i32 to index
        %get3A_115 = arith.constant 96 : index
        %get3A_116 = tpu.vector_load %arg10[%get3A_114, %get3A_115] {strides = array<i32>} : memref<80x128xf32, #tpu.memory_space<vmem>>, vector<16xf32>,
        %mul3A_117 = arith.mulf %get3A_116, %gather3A : vector<16xf32>
        %swap3A_118 = arith.index_cast %scan3A_71 : i32 to index
        %swap3A_119 = arith.constant 96 : index
        %swap3A_120 = tpu.vector_load %arg10[%swap3A_118, %swap3A_119] {strides = array<i32>} : memref<80x128xf32, #tpu.memory_space<vmem>>, vector<16xf32>,
        tpu.vector_store %arg10[%swap3A_118, %swap3A_119], %mul3A_117 {strides = array<i32>} : memref<80x128xf32, #tpu.memory_space<vmem>>, vector<16xf32>,
        %get3A_121 = arith.index_cast %scan3A_71 : i32 to index
        %get3A_122 = arith.constant 112 : index
        %get3A_123 = tpu.vector_load %arg10[%get3A_121, %get3A_122] {strides = array<i32>} : memref<80x128xf32, #tpu.memory_space<vmem>>, vector<16xf32>,
        %mul3A_124 = arith.mulf %get3A_123, %gather3A : vector<16xf32>
        %swap3A_125 = arith.index_cast %scan3A_71 : i32 to index
        %swap3A_126 = arith.constant 112 : index
        %swap3A_127 = tpu.vector_load %arg10[%swap3A_125, %swap3A_126] {strides = array<i32>} : memref<80x128xf32, #tpu.memory_space<vmem>>, vector<16xf32>,
        tpu.vector_store %arg10[%swap3A_125, %swap3A_126], %mul3A_124 {strides = array<i32>} : memref<80x128xf32, #tpu.memory_space<vmem>>, vector<16xf32>,
        %scan3A_128 = arith.constant 0 : i32
        scf.yield %scan3A_128 : i32
      }
      %scan3A_69 = arith.constant 80 : i32
      "tpu.region"() ({
        %run_scoped3A = tpu.sem_alloc : memref<!tpu.dma_semaphore, #tpu.memory_space<semaphore_mem>>
        %dma_start3A_71 = arith.constant 0 : i32
        %dma_start3A_72 = arith.constant 0 : i32
        %dma_start3A_73 = tpu.memref_slice %arg11[%dma_start3A_71, %dma_start3A_72] : memref<10240x128xf32, #tpu.memory_space<vmem_shared>> -> memref<10240x128xf32, #tpu.memory_space<vmem_shared>>
        tpu.enqueue_indirect_dma source(%arg10 : memref<80x128xf32, #tpu.memory_space<vmem>>) target(%dma_start3A_73 : memref<10240x128xf32, #tpu.memory_space<vmem_shared>>) offsets(%arg8 : memref<80xi32, #tpu.memory_space<vmem>>) semaphore(%run_scoped3A : memref<!tpu.dma_semaphore, #tpu.memory_space<semaphore_mem>>) {add = true}
        %dma_wait3A_74 = arith.constant 0 : i32
        %dma_wait3A_75 = arith.constant 0 : i32
        %dma_wait3A_76 = tpu.memref_slice %arg11[%dma_wait3A_74, %dma_wait3A_75] : memref<10240x128xf32, #tpu.memory_space<vmem_shared>> -> memref<10240x128xf32, #tpu.memory_space<vmem_shared>>
        tpu.wait_indirect_dma semaphore(%run_scoped3A : memref<!tpu.dma_semaphore, #tpu.memory_space<semaphore_mem>>) src(%arg10 : memref<80x128xf32, #tpu.memory_space<vmem>>) dst(%dma_wait3A_76 : memref<10240x128xf32, #tpu.memory_space<vmem_shared>>)
        tpu.yield
      }) : () -> ()
      %scan3A_70 = arith.constant 0 : i32
      scf.yield %scan3A_70 : i32
    }
    %scan3A_46 = arith.constant 125 : i32
    %barrier3A_47 = arith.constant 0 : index
    tpu.barrier barrier_id(%barrier3A_47)
    %mul3A_48 = arith.constant 640 : i32
    %mul3A_49 = arith.muli %arg1, %mul3A_48 : i32
    %mul3A_50 = arith.constant 640 : i32
    %mul3A_51 = arith.muli %arg1, %mul3A_50 : i32
    "tpu.region"() ({
      %run_scoped3A = tpu.sem_alloc : memref<!tpu.dma_semaphore, #tpu.memory_space<semaphore_mem>>
      %dma_start3A = arith.constant 0 : i32
      %dma_start3A_52 = tpu.memref_slice %arg6[%arg0, %mul3A_51, %dma_start3A] : memref<2x10240x128xf32, #tpu.memory_space<hbm>> -> memref<1x640x128xf32, #tpu.memory_space<hbm>>
      %dma_start3A_53 = tpu.memref_squeeze %dma_start3A_52 : memref<1x640x128xf32, #tpu.memory_space<hbm>> -> memref<640x128xf32, #tpu.memory_space<hbm>>
      %dma_start3A_54 = arith.constant 0 : i32
      %dma_start3A_55 = tpu.memref_slice %arg11[%mul3A_49, %dma_start3A_54] : memref<10240x128xf32, #tpu.memory_space<vmem_shared>> -> memref<640x128xf32, #tpu.memory_space<vmem_shared>>
      tpu.enqueue_dma source(%dma_start3A_55 : memref<640x128xf32, #tpu.memory_space<vmem_shared>>) target(%dma_start3A_53 : memref<640x128xf32, #tpu.memory_space<hbm>>) target_semaphore(%run_scoped3A : memref<!tpu.dma_semaphore, #tpu.memory_space<semaphore_mem>>)
      %dma_wait3A = arith.constant 0 : i32
      %dma_wait3A_56 = tpu.memref_slice %arg6[%arg0, %mul3A_51, %dma_wait3A] : memref<2x10240x128xf32, #tpu.memory_space<hbm>> -> memref<1x640x128xf32, #tpu.memory_space<hbm>>
      %dma_wait3A_57 = tpu.memref_squeeze %dma_wait3A_56 : memref<1x640x128xf32, #tpu.memory_space<hbm>> -> memref<640x128xf32, #tpu.memory_space<hbm>>
      %dma_wait3A_58 = arith.constant 0 : i32
      %dma_wait3A_59 = tpu.memref_slice %arg11[%mul3A_49, %dma_wait3A_58] : memref<10240x128xf32, #tpu.memory_space<vmem_shared>> -> memref<640x128xf32, #tpu.memory_space<vmem_shared>>
      tpu.wait_dma2 semaphore(%run_scoped3A : memref<!tpu.dma_semaphore, #tpu.memory_space<semaphore_mem>>) src(%dma_wait3A_59 : memref<640x128xf32, #tpu.memory_space<vmem_shared>>) dst(%dma_wait3A_57 : memref<640x128xf32, #tpu.memory_space<hbm>>)
      tpu.yield
    }) : () -> ()
    return
  }
}

module attributes {stable_mosaic.version = 14 : i64} {
  func.func @_tc_scale_body(%arg0: i32, %arg1: memref<2x128x16xf32, #tpu.memory_space<vmem>>, %arg2: memref<128x128xf32, #tpu.memory_space<vmem>>, %arg3: memref<128x1xf32, #tpu.memory_space<vmem>>, %arg4: memref<128x128xf32, #tpu.memory_space<vmem>>) attributes {dimension_semantics = [#tpu.dimension_semantics<arbitrary>], iteration_bounds = array<i64: 80>, scalar_prefetch = 0 : i64, scratch_operands = 0 : i64, tpu.core_type = #tpu.core_type<tc>, window_params = [{transform_indices = @transform_0, window_bounds = array<i64: 2, 128, 16>}, {transform_indices = @transform_1, window_bounds = array<i64: 128, 128>}, {transform_indices = @transform_2, window_bounds = array<i64: 128, 1>}, {transform_indices = @transform_3, window_bounds = array<i64: 128, 128>}]} {
    %get3A = arith.constant 0 : index
    %get3A_0 = arith.constant 0 : index
    %get3A_1 = arith.constant 0 : index
    %get3A_2 = vector.load %arg1[%get3A, %get3A_0, %get3A_1] : memref<2x128x16xf32, #tpu.memory_space<vmem>>, vector<1x128x1xf32>
    %get3A_3 = vector.shape_cast %get3A_2 : vector<1x128x1xf32> to vector<128x1xf32>
    %get3A_4 = arith.constant 1 : index
    %get3A_5 = arith.constant 0 : index
    %get3A_6 = arith.constant 0 : index
    %get3A_7 = vector.load %arg1[%get3A_4, %get3A_5, %get3A_6] : memref<2x128x16xf32, #tpu.memory_space<vmem>>, vector<1x128x1xf32>
    %get3A_8 = vector.shape_cast %get3A_7 : vector<1x128x1xf32> to vector<128x1xf32>
    %add3A = arith.addf %get3A_3, %get3A_8 : vector<128x1xf32>
    %add3A_9 = arith.constant 1.000000e+00 : f32
    %add3A_10 = vector.broadcast %add3A_9 : f32 to vector<128x1xf32>
    %add3A_11 = arith.addf %add3A, %add3A_10 : vector<128x1xf32>
    %rsqrt3A = math.rsqrt %add3A_11 : vector<128x1xf32>
    %swap3A = arith.constant 0 : index
    %swap3A_12 = arith.constant 0 : index
    %swap3A_13 = vector.load %arg3[%swap3A, %swap3A_12] : memref<128x1xf32, #tpu.memory_space<vmem>>, vector<128x1xf32>
    tpu.vector_store %arg3[%swap3A, %swap3A_12], %rsqrt3A {strides = array<i32>} : memref<128x1xf32, #tpu.memory_space<vmem>>, vector<128x1xf32>,
    %get3A_14 = arith.constant 0 : index
    %get3A_15 = arith.constant 0 : index
    %get3A_16 = vector.load %arg2[%get3A_14, %get3A_15] : memref<128x128xf32, #tpu.memory_space<vmem>>, vector<128x128xf32>
    %mul3A = vector.broadcast %rsqrt3A : vector<128x1xf32> to vector<128x128xf32>
    %mul3A_17 = arith.mulf %get3A_16, %mul3A : vector<128x128xf32>
    %swap3A_18 = arith.constant 0 : index
    %swap3A_19 = arith.constant 0 : index
    %swap3A_20 = vector.load %arg4[%swap3A_18, %swap3A_19] : memref<128x128xf32, #tpu.memory_space<vmem>>, vector<128x128xf32>
    tpu.vector_store %arg4[%swap3A_18, %swap3A_19], %mul3A_17 {strides = array<i32>} : memref<128x128xf32, #tpu.memory_space<vmem>>, vector<128x128xf32>,
    return
  }
  func.func @transform_0(%arg0: i32) -> (i32, i32, i32) {
    %c0_i32 = arith.constant 0 : i32
    %c0_i32_0 = arith.constant 0 : i32
    %c0_i32_1 = arith.constant 0 : i32
    return %c0_i32, %arg0, %c0_i32_0 : i32, i32, i32
  }
  func.func @transform_1(%arg0: i32) -> (i32, i32) {
    %c0_i32 = arith.constant 0 : i32
    %c0_i32_0 = arith.constant 0 : i32
    return %arg0, %c0_i32 : i32, i32
  }
  func.func @transform_2(%arg0: i32) -> (i32, i32) {
    %c0_i32 = arith.constant 0 : i32
    %c0_i32_0 = arith.constant 0 : i32
    return %arg0, %c0_i32 : i32, i32
  }
  func.func @transform_3(%arg0: i32) -> (i32, i32) {
    %c0_i32 = arith.constant 0 : i32
    %c0_i32_0 = arith.constant 0 : i32
    return %arg0, %c0_i32 : i32, i32
  }
}

module attributes {stable_mosaic.version = 14 : i64} {
  func.func @_tc_mlp_body(%arg0: i32, %arg1: memref<2x128x128xf32, #tpu.memory_space<vmem>>, %arg2: memref<128x128xf32, #tpu.memory_space<vmem>>, %arg3: memref<128x1xf32, #tpu.memory_space<vmem>>, %arg4: memref<128x256xf32, #tpu.memory_space<vmem>>, %arg5: memref<1x256xf32, #tpu.memory_space<vmem>>, %arg6: memref<256x128xf32, #tpu.memory_space<vmem>>, %arg7: memref<128x128xf32, #tpu.memory_space<vmem>>) attributes {dimension_semantics = [#tpu.dimension_semantics<arbitrary>], iteration_bounds = array<i64: 80>, scalar_prefetch = 0 : i64, scratch_operands = 0 : i64, tpu.core_type = #tpu.core_type<tc>, window_params = [{transform_indices = @transform_0, window_bounds = array<i64: 2, 128, 128>}, {transform_indices = @transform_1, window_bounds = array<i64: 128, 128>}, {transform_indices = @transform_2, window_bounds = array<i64: 128, 1>}, {pipeline_mode = #tpu.pipeline_mode<synchronous>, transform_indices = @transform_3, window_bounds = array<i64: 128, 256>}, {pipeline_mode = #tpu.pipeline_mode<synchronous>, transform_indices = @transform_4, window_bounds = array<i64: 1, 256>}, {pipeline_mode = #tpu.pipeline_mode<synchronous>, transform_indices = @transform_5, window_bounds = array<i64: 256, 128>}, {transform_indices = @transform_6, window_bounds = array<i64: 128, 128>}]} {
    %get3A = arith.constant 0 : index
    %get3A_0 = arith.constant 0 : index
    %get3A_1 = vector.load %arg3[%get3A, %get3A_0] : memref<128x1xf32, #tpu.memory_space<vmem>>, vector<128x1xf32>
    %get3A_2 = arith.constant 0 : index
    %get3A_3 = arith.constant 0 : index
    %get3A_4 = arith.constant 0 : index
    %get3A_5 = vector.load %arg1[%get3A_2, %get3A_3, %get3A_4] : memref<2x128x128xf32, #tpu.memory_space<vmem>>, vector<1x128x128xf32>
    %get3A_6 = vector.shape_cast %get3A_5 : vector<1x128x128xf32> to vector<128x128xf32>
    %get3A_7 = arith.constant 1 : index
    %get3A_8 = arith.constant 0 : index
    %get3A_9 = arith.constant 0 : index
    %get3A_10 = vector.load %arg1[%get3A_7, %get3A_8, %get3A_9] : memref<2x128x128xf32, #tpu.memory_space<vmem>>, vector<1x128x128xf32>
    %get3A_11 = vector.shape_cast %get3A_10 : vector<1x128x128xf32> to vector<128x128xf32>
    %add3A = arith.addf %get3A_6, %get3A_11 : vector<128x128xf32>
    %get3A_12 = arith.constant 0 : index
    %get3A_13 = arith.constant 0 : index
    %get3A_14 = vector.load %arg2[%get3A_12, %get3A_13] : memref<128x128xf32, #tpu.memory_space<vmem>>, vector<128x128xf32>
    %add3A_15 = arith.addf %add3A, %get3A_14 : vector<128x128xf32>
    %mul3A = vector.broadcast %get3A_1 : vector<128x1xf32> to vector<128x128xf32>
    %mul3A_16 = arith.mulf %add3A_15, %mul3A : vector<128x128xf32>
    %get3A_17 = arith.constant 0 : index
    %get3A_18 = arith.constant 0 : index
    %get3A_19 = vector.load %arg4[%get3A_17, %get3A_18] : memref<128x256xf32, #tpu.memory_space<vmem>>, vector<128x256xf32>
    %dot_general3A = arith.constant dense<0.000000e+00> : vector<128x256xf32>
    %dot_general3A_20 = tpu.matmul %mul3A_16, %get3A_19, %dot_general3A {dimension_numbers = #tpu.dot_dimension_numbers<[1], [0], [0], [1], [0, 0, 1, 1], [], []>, transpose_lhs_hint = false} : vector<128x128xf32>, vector<128x256xf32>, vector<128x256xf32> -> vector<128x256xf32>
    %get3A_21 = arith.constant 0 : index
    %get3A_22 = arith.constant 0 : index
    %get3A_23 = vector.load %arg5[%get3A_21, %get3A_22] : memref<1x256xf32, #tpu.memory_space<vmem>>, vector<1x256xf32>
    %add3A_24 = vector.broadcast %get3A_23 : vector<1x256xf32> to vector<128x256xf32>
    %add3A_25 = arith.addf %dot_general3A_20, %add3A_24 : vector<128x256xf32>
    %max3A = arith.constant 0.000000e+00 : f32
    %max3A_26 = vector.broadcast %max3A : f32 to vector<128x256xf32>
    %max3A_27 = arith.maximumf %add3A_25, %max3A_26 : vector<128x256xf32>
    %get3A_28 = arith.constant 0 : index
    %get3A_29 = arith.constant 0 : index
    %get3A_30 = vector.load %arg6[%get3A_28, %get3A_29] : memref<256x128xf32, #tpu.memory_space<vmem>>, vector<256x128xf32>
    %dot_general3A_31 = arith.constant dense<0.000000e+00> : vector<128x128xf32>
    %dot_general3A_32 = tpu.matmul %max3A_27, %get3A_30, %dot_general3A_31 {dimension_numbers = #tpu.dot_dimension_numbers<[1], [0], [0], [1], [0, 0, 1, 1], [], []>, transpose_lhs_hint = false} : vector<128x256xf32>, vector<256x128xf32>, vector<128x128xf32> -> vector<128x128xf32>
    %mul3A_33 = vector.broadcast %get3A_1 : vector<128x1xf32> to vector<128x128xf32>
    %mul3A_34 = arith.mulf %dot_general3A_32, %mul3A_33 : vector<128x128xf32>
    %swap3A = arith.constant 0 : index
    %swap3A_35 = arith.constant 0 : index
    %swap3A_36 = vector.load %arg7[%swap3A, %swap3A_35] : memref<128x128xf32, #tpu.memory_space<vmem>>, vector<128x128xf32>
    tpu.vector_store %arg7[%swap3A, %swap3A_35], %mul3A_34 {strides = array<i32>} : memref<128x128xf32, #tpu.memory_space<vmem>>, vector<128x128xf32>,
    return
  }
  func.func @transform_0(%arg0: i32) -> (i32, i32, i32) {
    %c0_i32 = arith.constant 0 : i32
    %c0_i32_0 = arith.constant 0 : i32
    %c0_i32_1 = arith.constant 0 : i32
    return %c0_i32, %arg0, %c0_i32_0 : i32, i32, i32
  }
  func.func @transform_1(%arg0: i32) -> (i32, i32) {
    %c0_i32 = arith.constant 0 : i32
    %c0_i32_0 = arith.constant 0 : i32
    return %arg0, %c0_i32 : i32, i32
  }
  func.func @transform_2(%arg0: i32) -> (i32, i32) {
    %c0_i32 = arith.constant 0 : i32
    %c0_i32_0 = arith.constant 0 : i32
    return %arg0, %c0_i32 : i32, i32
  }
  func.func @transform_3(%arg0: i32) -> (i32, i32) {
    %c0_i32 = arith.constant 0 : i32
    %c0_i32_0 = arith.constant 0 : i32
    %c0_i32_1 = arith.constant 0 : i32
    return %c0_i32, %c0_i32_0 : i32, i32
  }
  func.func @transform_4(%arg0: i32) -> (i32, i32) {
    %c0_i32 = arith.constant 0 : i32
    %c0_i32_0 = arith.constant 0 : i32
    %c0_i32_1 = arith.constant 0 : i32
    return %c0_i32, %c0_i32_0 : i32, i32
  }
  func.func @transform_5(%arg0: i32) -> (i32, i32) {
    %c0_i32 = arith.constant 0 : i32
    %c0_i32_0 = arith.constant 0 : i32
    %c0_i32_1 = arith.constant 0 : i32
    return %c0_i32, %c0_i32_0 : i32, i32
  }
  func.func @transform_6(%arg0: i32) -> (i32, i32) {
    %c0_i32 = arith.constant 0 : i32
    %c0_i32_0 = arith.constant 0 : i32
    return %arg0, %c0_i32 : i32, i32
  }
}

module attributes {stable_mosaic.version = 14 : i64} {
  func.func @_tc_final_body(%arg0: i32, %arg1: memref<2x128x128xf32, #tpu.memory_space<vmem>>, %arg2: memref<128x128xf32, #tpu.memory_space<vmem>>, %arg3: memref<128x1xf32, #tpu.memory_space<vmem>>, %arg4: memref<1x128xf32, #tpu.memory_space<vmem>>, %arg5: memref<128xi32, #tpu.memory_space<vmem>>, %arg6: memref<64x128xf32, #tpu.memory_space<vmem>>, %arg7: memref<64x128xf32, #tpu.memory_space<vmem>>, %arg8: memref<64x1xf32, #tpu.memory_space<vmem>>) attributes {dimension_semantics = [#tpu.dimension_semantics<arbitrary>], iteration_bounds = array<i64: 80>, scalar_prefetch = 0 : i64, scratch_operands = 2 : i64, tpu.core_type = #tpu.core_type<tc>, window_params = [{transform_indices = @transform_0, window_bounds = array<i64: 2, 128, 128>}, {transform_indices = @transform_1, window_bounds = array<i64: 128, 128>}, {transform_indices = @transform_2, window_bounds = array<i64: 128, 1>}, {pipeline_mode = #tpu.pipeline_mode<synchronous>, transform_indices = @transform_3, window_bounds = array<i64: 1, 128>}, {transform_indices = @transform_4, window_bounds = array<i64: 128>}, {pipeline_mode = #tpu.pipeline_mode<synchronous>, transform_indices = @transform_5, window_bounds = array<i64: 64, 128>}]} {
    %get3A = arith.constant 0 : index
    %get3A_0 = arith.constant 0 : index
    %get3A_1 = arith.constant 0 : index
    %get3A_2 = vector.load %arg1[%get3A, %get3A_0, %get3A_1] : memref<2x128x128xf32, #tpu.memory_space<vmem>>, vector<1x128x128xf32>
    %get3A_3 = vector.shape_cast %get3A_2 : vector<1x128x128xf32> to vector<128x128xf32>
    %get3A_4 = arith.constant 1 : index
    %get3A_5 = arith.constant 0 : index
    %get3A_6 = arith.constant 0 : index
    %get3A_7 = vector.load %arg1[%get3A_4, %get3A_5, %get3A_6] : memref<2x128x128xf32, #tpu.memory_space<vmem>>, vector<1x128x128xf32>
    %get3A_8 = vector.shape_cast %get3A_7 : vector<1x128x128xf32> to vector<128x128xf32>
    %add3A = arith.addf %get3A_3, %get3A_8 : vector<128x128xf32>
    %get3A_9 = arith.constant 0 : index
    %get3A_10 = arith.constant 0 : index
    %get3A_11 = vector.load %arg2[%get3A_9, %get3A_10] : memref<128x128xf32, #tpu.memory_space<vmem>>, vector<128x128xf32>
    %add3A_12 = arith.addf %add3A, %get3A_11 : vector<128x128xf32>
    %get3A_13 = arith.constant 0 : index
    %get3A_14 = arith.constant 0 : index
    %get3A_15 = vector.load %arg3[%get3A_13, %get3A_14] : memref<128x1xf32, #tpu.memory_space<vmem>>, vector<128x1xf32>
    %mul3A = vector.broadcast %get3A_15 : vector<128x1xf32> to vector<128x128xf32>
    %mul3A_16 = arith.mulf %add3A_12, %mul3A : vector<128x128xf32>
    %get3A_17 = arith.constant 0 : index
    %get3A_18 = arith.constant 0 : index
    %get3A_19 = vector.load %arg4[%get3A_17, %get3A_18] : memref<1x128xf32, #tpu.memory_space<vmem>>, vector<1x128xf32>
    %add3A_20 = vector.broadcast %get3A_19 : vector<1x128xf32> to vector<128x128xf32>
    %add3A_21 = arith.addf %mul3A_16, %add3A_20 : vector<128x128xf32>
    %max3A = arith.constant 0.000000e+00 : f32
    %max3A_22 = vector.broadcast %max3A : f32 to vector<128x128xf32>
    %max3A_23 = arith.maximumf %add3A_21, %max3A_22 : vector<128x128xf32>
    %get3A_24 = arith.constant 0 : index
    %get3A_25 = vector.load %arg5[%get3A_24] : memref<128xi32, #tpu.memory_space<vmem>>, vector<128xi32>
    %reshape3A = vector.shape_cast %get3A_25 : vector<128xi32> to vector<1x128xi32>
    %iota3A = tpu.iota {dimensions = array<i32: 0>} : vector<64x128xi32>
    %eq3A = vector.broadcast %reshape3A : vector<1x128xi32> to vector<64x128xi32>
    %eq3A_26 = arith.cmpi eq, %iota3A, %eq3A : vector<64x128xi32>
    %convert_element_type3A = arith.extui %eq3A_26 : vector<64x128xi1> to vector<64x128xi32>
    %convert_element_type3A_27 = arith.sitofp %convert_element_type3A : vector<64x128xi32> to vector<64x128xf32>
    %dot_general3A = arith.constant dense<0.000000e+00> : vector<64x128xf32>
    %dot_general3A_28 = tpu.matmul %convert_element_type3A_27, %max3A_23, %dot_general3A {dimension_numbers = #tpu.dot_dimension_numbers<[1], [0], [0], [1], [0, 0, 1, 1], [], []>, transpose_lhs_hint = false} : vector<64x128xf32>, vector<128x128xf32>, vector<64x128xf32> -> vector<64x128xf32>
    %reduce_sum3A = arith.constant dense<0.000000e+00> : vector<64xf32>
    %reduce_sum3A_29 = vector.multi_reduction <add>, %convert_element_type3A_27, %reduce_sum3A [1] : vector<64x128xf32> to vector<64xf32>
    %broadcast_in_dim3A = vector.shape_cast %reduce_sum3A_29 : vector<64xf32> to vector<64x1xf32>
    %eq3A_30 = arith.constant 0 : i32
    %eq3A_31 = arith.cmpi eq, %arg0, %eq3A_30 : i32
    %convert_element_type3A_32 = arith.extui %eq3A_31 : i1 to i32
    %cond3A = arith.constant 0 : i32
    %cond3A_33 = arith.cmpi ne, %convert_element_type3A_32, %cond3A : i32
    scf.if %cond3A_33 {
      %swap3A_50 = arith.constant 0 : index
      %swap3A_51 = arith.constant 0 : index
      %swap3A_52 = vector.load %arg7[%swap3A_50, %swap3A_51] : memref<64x128xf32, #tpu.memory_space<vmem>>, vector<64x128xf32>
      tpu.vector_store %arg7[%swap3A_50, %swap3A_51], %dot_general3A_28 {strides = array<i32>} : memref<64x128xf32, #tpu.memory_space<vmem>>, vector<64x128xf32>,
      %swap3A_53 = arith.constant 0 : index
      %swap3A_54 = arith.constant 0 : index
      %swap3A_55 = vector.load %arg8[%swap3A_53, %swap3A_54] : memref<64x1xf32, #tpu.memory_space<vmem>>, vector<64x1xf32>
      tpu.vector_store %arg8[%swap3A_53, %swap3A_54], %broadcast_in_dim3A {strides = array<i32>} : memref<64x1xf32, #tpu.memory_space<vmem>>, vector<64x1xf32>,
    } else {
    }
    %gt3A = arith.constant 0 : i32
    %gt3A_34 = arith.cmpi sgt, %arg0, %gt3A : i32
    %convert_element_type3A_35 = arith.extui %gt3A_34 : i1 to i32
    %cond3A_36 = arith.constant 0 : i32
    %cond3A_37 = arith.cmpi ne, %convert_element_type3A_35, %cond3A_36 : i32
    scf.if %cond3A_37 {
      %get3A_50 = arith.constant 0 : index
      %get3A_51 = arith.constant 0 : index
      %get3A_52 = vector.load %arg7[%get3A_50, %get3A_51] : memref<64x128xf32, #tpu.memory_space<vmem>>, vector<64x128xf32>
      %add3A_53 = arith.addf %get3A_52, %dot_general3A_28 : vector<64x128xf32>
      %swap3A_54 = arith.constant 0 : index
      %swap3A_55 = arith.constant 0 : index
      %swap3A_56 = vector.load %arg7[%swap3A_54, %swap3A_55] : memref<64x128xf32, #tpu.memory_space<vmem>>, vector<64x128xf32>
      tpu.vector_store %arg7[%swap3A_54, %swap3A_55], %add3A_53 {strides = array<i32>} : memref<64x128xf32, #tpu.memory_space<vmem>>, vector<64x128xf32>,
      %get3A_57 = arith.constant 0 : index
      %get3A_58 = arith.constant 0 : index
      %get3A_59 = vector.load %arg8[%get3A_57, %get3A_58] : memref<64x1xf32, #tpu.memory_space<vmem>>, vector<64x1xf32>
      %add3A_60 = arith.addf %get3A_59, %broadcast_in_dim3A : vector<64x1xf32>
      %swap3A_61 = arith.constant 0 : index
      %swap3A_62 = arith.constant 0 : index
      %swap3A_63 = vector.load %arg8[%swap3A_61, %swap3A_62] : memref<64x1xf32, #tpu.memory_space<vmem>>, vector<64x1xf32>
      tpu.vector_store %arg8[%swap3A_61, %swap3A_62], %add3A_60 {strides = array<i32>} : memref<64x1xf32, #tpu.memory_space<vmem>>, vector<64x1xf32>,
    } else {
    }
    %get3A_38 = arith.constant 0 : index
    %get3A_39 = arith.constant 0 : index
    %get3A_40 = vector.load %arg7[%get3A_38, %get3A_39] : memref<64x128xf32, #tpu.memory_space<vmem>>, vector<64x128xf32>
    %get3A_41 = arith.constant 0 : index
    %get3A_42 = arith.constant 0 : index
    %get3A_43 = vector.load %arg8[%get3A_41, %get3A_42] : memref<64x1xf32, #tpu.memory_space<vmem>>, vector<64x1xf32>
    %max3A_44 = arith.constant 1.000000e+00 : f32
    %max3A_45 = vector.broadcast %max3A_44 : f32 to vector<64x1xf32>
    %max3A_46 = arith.maximumf %get3A_43, %max3A_45 : vector<64x1xf32>
    %div3A = vector.broadcast %max3A_46 : vector<64x1xf32> to vector<64x128xf32>
    %div3A_47 = arith.divf %get3A_40, %div3A : vector<64x128xf32>
    %swap3A = arith.constant 0 : index
    %swap3A_48 = arith.constant 0 : index
    %swap3A_49 = vector.load %arg6[%swap3A, %swap3A_48] : memref<64x128xf32, #tpu.memory_space<vmem>>, vector<64x128xf32>
    tpu.vector_store %arg6[%swap3A, %swap3A_48], %div3A_47 {strides = array<i32>} : memref<64x128xf32, #tpu.memory_space<vmem>>, vector<64x128xf32>,
    return
  }
  func.func @transform_0(%arg0: i32) -> (i32, i32, i32) {
    %c0_i32 = arith.constant 0 : i32
    %c0_i32_0 = arith.constant 0 : i32
    %c0_i32_1 = arith.constant 0 : i32
    return %c0_i32, %arg0, %c0_i32_0 : i32, i32, i32
  }
  func.func @transform_1(%arg0: i32) -> (i32, i32) {
    %c0_i32 = arith.constant 0 : i32
    %c0_i32_0 = arith.constant 0 : i32
    return %arg0, %c0_i32 : i32, i32
  }
  func.func @transform_2(%arg0: i32) -> (i32, i32) {
    %c0_i32 = arith.constant 0 : i32
    %c0_i32_0 = arith.constant 0 : i32
    return %arg0, %c0_i32 : i32, i32
  }
  func.func @transform_3(%arg0: i32) -> (i32, i32) {
    %c0_i32 = arith.constant 0 : i32
    %c0_i32_0 = arith.constant 0 : i32
    %c0_i32_1 = arith.constant 0 : i32
    return %c0_i32, %c0_i32_0 : i32, i32
  }
  func.func @transform_4(%arg0: i32) -> i32 {
    %c0_i32 = arith.constant 0 : i32
    return %arg0 : i32
  }
  func.func @transform_5(%arg0: i32) -> (i32, i32) {
    %c0_i32 = arith.constant 0 : i32
    %c0_i32_0 = arith.constant 0 : i32
    %c0_i32_1 = arith.constant 0 : i32
    return %c0_i32, %c0_i32_0 : i32, i32
  }
}

</mosaic_0001>

<sc_bundles>
// kernel: kernel.11.cloned.1.call-start
scs
__scs_entry_jumppad:
0x0: {  	(pc) =	sbr.rel $0x88, $3  }
0x1: {  	(tag) =	ssettag $0x0;
	lr =	simm.s32 $0x1  }
0x2: {  	[smem:$0x3F98] =	sst lr;
	_ =	strace $0xD0000000  }
0x3: {  	_ = 	snop  }
0x4: {  	_ = 	snop  }
0x5: {  	_ = 	snop  }
0x6: {  	_ = 	snop  }
0x7: {  	_ = 	snop  }
__scs_overlays_trampoline_lowered:
0x8: {  	[smem:$0x3FA7] =	sst s0  }
0x9: {  	[smem:$0x3FA8] =	sst s1  }
0xa: {  	[smem:$0x3FA9] =	sst s2  }
0xb: {  	[smem:$0x3FAA] =	sst s3  }
0xc: {  	[smem:$0x3FAB] =	sst s4  }
0xd: {  	[smem:$0x3FAC] =	sst s5  }
0xe: {  	[smem:$0x3FAD] =	sst s6  }
0xf: {  	[smem:$0x3FAE] =	sst s7  }
0x10: {  	[smem:$0x3FAF] =	sst s8  }
0x11: {  	[smem:$0x3FB0] =	sst s9;
	s0 =	simm.s32 @!p0 $0x0  }
0x12: {  	s1 =	sld [smem:$0x3F96];
	s0 =	simm.s32 @p0 $0x1  }
0x13: {  	[smem:$0x3FB1] =	sst s0;
	s0 =	simm.s32 @!p1 $0x0  }
0x14: {  	s2 =	sld [smem:$0x3F95];
	s0 =	simm.s32 @p1 $0x1  }
0x15: {  	[smem:$0x3FB2] =	sst s0;
	s0 =	simm.s32 @!p2 $0x0  }
0x16: {  	s3 =	sld [smem:$0x3FDB];
	s0 =	simm.s32 @p2 $0x1  }
0x17: {  	s4 =	simm.s32 $0x1BF5;
	[smem:$0x3FB4] =	sst s0  }
0x18: {  	s0 =	sld [smem:$0x3F97];
	_ =	swait.ge [sflag:s4], $0x0  }
0x19: {  	s7 =	sld [smem:$0x3F98]  }
0x1a: {  	s8 =	sadd.s32 $0xFFFFE003, lr  }
0x1b: {  	s9 =	sadd.s32 $0xFFFFFEF7, lr;
	s5 =	simm.s32 $0xFFFFFFFF;
	p2 =	slt.u32 s8, $0xFFFFF086  }
0x1c: {  	p1 =	slt.u32 s9, $0xF7A;
	s5 =	simm.s32 @!p2 $0x0  }
0x1d: {  	s5 =	simm.s32 @p1 $0x1;
	p0 =	seq.s32 s7, s2  }
0x1e: {  	s7 =	smul.u32 @!p0 $0xF7A, s2;
	p2 =	seq.s32 @!p0 s5, $0x0  }
0x1f: {  	s9 =	smul.u32 $0xF7A, s1;
	s8 =	simm.s32 @!p0 $0x1BF5;
	p2 =	por !p2, p0  }
0x20: {  	[sflag:s8] =	ssyncset.s32 @!p0 $0xFFFFF086;
	s6 =	sadd.s32 @!p0 s3, s7;
	s7 =	simm.s32 @!p0 $0x108  }
0x21: {  	s3 =	sadd.s32 s3, s9;
	s6 =	sadd.s32 @!p0 $0x88, s6;
	s7 =	simm.s32 @p2 $0x1082  }
0x22: {  	[simem:s7], [sflag:s8] =	dma.local @!p0 [hbm:s6], $0xF7A  }
0x23: {  	s9 =	sor.u32 $0xD0000000, s2;
	s6 =	simm.s32 $0x108;
	_ =	swait.ge @!p0 [sflag:s8], $0x0  }
0x24: {  	s3 =	sadd.s32 $0x88, s3;
	s6 =	simm.s32 @!p1 $0x1082;
	[sflag:s4] =	ssyncset.s32 $0xFFFFF086  }
0x25: {  	[simem:s6], [sflag:s4] =	dma.local [hbm:s3], $0xF7A  }
0x26: {  	[smem:$0x3F98] =	sst s1;
	(tag) =	ssettag s2;
	_ =	strace s9  }
0x27: {  	s1 =	sld [smem:$0x3FA8]  }
0x28: {  	s2 =	sld [smem:$0x3FA9]  }
0x29: {  	s4 =	sld [smem:$0x3FAB]  }
0x2a: {  	p0 =	seq.s32 s5, $0x0;
	s5 =	sld [smem:$0x3FAC]  }
0x2b: {  	s6 =	sld [smem:$0x3FAD]  }
0x2c: {  	s7 =	sld [smem:$0x3FAE]  }
0x2d: {  	s3 =	simm.s32 $0x108;
	s8 =	sld [smem:$0x3FAF]  }
0x2e: {  	s3 =	simm.s32 @!p0 $0x1082;
	s9 =	sld [smem:$0x3FB0]  }
0x2f: {  	lr =	sadd.s32 s0, s3;
	s0 =	sld [smem:$0x3FA7]  }
0x30: {  	s3 =	sld [smem:$0x3FAA]  }
0x31: {  	[smem:$0x3FB3] =	sst s10  }
0x32: {  	s10 =	sld [smem:$0x3FB1];
	_ =	sdelay $0x3  }
0x33: {  	p0 =	seq.s32 s10, $0x1;
	s10 =	sld [smem:$0x3FB3];
	_ =	sdelay $0x3  }
0x34: {  	[smem:$0x3FB3] =	sst s10  }
0x35: {  	s10 =	sld [smem:$0x3FB2];
	_ =	sdelay $0x3  }
0x36: {  	p1 =	seq.s32 s10, $0x1;
	s10 =	sld [smem:$0x3FB3];
	_ =	sdelay $0x3  }
0x37: {  	[smem:$0x3FB3] =	sst s10  }
0x38: {  	s10 =	sld [smem:$0x3FB4]  }
0x39: {  	_ = 	snop;
	(pc) =	sbr.ind lr, $3  }
0x3a: {  	_ = 	snop  }
0x3b: {  	_ = 	snop  }
0x3c: {  	p2 =	seq.s32 s10, $0x1;
	s10 =	sld [smem:$0x3FB3]  }
0x3d: {  	_ =	shalt  }
0x3e: {  	_ =	shalt  }
0x3f: {  	_ =	shalt  }
0x40: {  	_ =	shalt  }
0x41: {  	_ =	shalt  }
0x42: {  	_ =	shalt  }
0x43: {  	_ =	shalt  }
0x44: {  	_ =	shalt  }
0x45: {  	_ =	shalt  }
0x46: {  	_ =	shalt  }
0x47: {  	_ =	shalt  }
0x48: {  	_ =	shalt  }
0x49: {  	_ =	shalt  }
0x4a: {  	_ =	shalt  }
0x4b: {  	_ =	shalt  }
0x4c: {  	_ =	shalt  }
0x4d: {  	_ =	shalt  }
0x4e: {  	_ =	shalt  }
0x4f: {  	_ =	shalt  }
0x50: {  	_ =	shalt  }
0x51: {  	_ =	shalt  }
0x52: {  	_ =	shalt  }
0x53: {  	_ =	shalt  }
0x54: {  	_ =	shalt  }
0x55: {  	_ =	shalt  }
0x56: {  	_ =	shalt  }
0x57: {  	_ =	shalt  }
0x58: {  	_ =	shalt  }
0x59: {  	_ =	shalt  }
0x5a: {  	_ =	shalt  }
0x5b: {  	_ =	shalt  }
0x5c: {  	_ =	shalt  }
0x5d: {  	_ =	shalt  }
0x5e: {  	_ =	shalt  }
0x5f: {  	_ =	shalt  }
0x60: {  	_ =	shalt  }
0x61: {  	_ =	shalt  }
0x62: {  	_ =	shalt  }
0x63: {  	_ =	shalt  }
0x64: {  	_ =	shalt  }
0x65: {  	_ =	shalt  }
0x66: {  	_ =	shalt  }
0x67: {  	_ =	shalt  }
0x68: {  	_ =	shalt  }
0x69: {  	_ =	shalt  }
0x6a: {  	_ =	shalt  }
0x6b: {  	_ =	shalt  }
0x6c: {  	_ =	shalt  }
0x6d: {  	_ =	shalt  }
0x6e: {  	_ =	shalt  }
0x6f: {  	_ =	shalt  }
0x70: {  	_ =	shalt  }
0x71: {  	_ =	shalt  }
0x72: {  	_ =	shalt  }
0x73: {  	_ =	shalt  }
0x74: {  	_ =	shalt  }
0x75: {  	_ =	shalt  }
0x76: {  	_ =	shalt  }
0x77: {  	_ =	shalt  }
0x78: {  	_ =	shalt  }
0x79: {  	_ =	shalt  }
0x7a: {  	_ =	shalt  }
0x7b: {  	_ =	shalt  }
0x7c: {  	_ =	shalt  }
0x7d: {  	_ =	shalt  }
0x7e: {  	_ =	shalt  }
0x7f: {  	_ =	shalt  }
0x80: {  	_ =	shalt  }
0x81: {  	_ =	shalt  }
0x82: {  	_ =	shalt  }
0x83: {  	_ =	shalt  }
0x84: {  	_ =	shalt  }
0x85: {  	_ =	shalt  }
0x86: {  	_ =	shalt  }
0x87: {  	_ =	shalt  }
.Lfunc_end0:
.L_simem_size_0:
called_computation.1_lowered:
.L_overlay_start_0:
0x88: {  	s2 =	sld [smem:$0x3FD9]  }
0x89: {  	s3 =	sld [smem:$0x3FFE];
	_ =	sdelay $0x1  }
0x8a: {  	s1 =	srdreg.scid  }
0x8b: {  	s0 =	sand.u32 $0x1, s1  }
0x8c: {  	s17 =	sshll.u32 s0, $0xA;
	s2 =	sadd.s32 s3, s2  }
0x8d: {  	s2 =	sadd.s32 s2, s17  }
0x8e: {  	[smem:$0x3FBF] =	sst s2  }
0x8f: {  	_ = 	snop  }
0x90: {  	s2 =	sld [smem:$0x3FC6];
	(tm) =	ssettm $0x1  }
0x91: {  	s18 =	sld [smem:$0x3FFB];
	_ =	sdelay $0x3  }
0x92: {  	_ =	strace s18  }
0x93: {  	s3 =	sld [smem:$0x3FFC];
	_ =	sdelay $0x3  }
0x94: {  	_ =	strace s3  }
0x95: {  	s3 =	sld [smem:$0x3FFD];
	_ =	sdelay $0x3  }
0x96: {  	_ =	strace s3  }
0x97: {  	_ =	strace $0x8FFFFFFF  }
0x98: {  	s19 =	sld [smem:$0x3FDB];
	_ =	sdelay $0x1  }
0x99: {  	s4 =	simm.s32 $_scs_section_size  }
0x9a: {  	s5 =	simm.s32 $_size__tile_overlayer_lowered;
	s6 =	simm.s32 $_tile_overlayer_lowered  }
0x9b: {  	s22 =	simm.s32 $0x1BFF;
	s21 =	sshll.u32 s6, $0x1;
	s3 =	sadd.s32 s4, s19  }
0x9c: {  	s7 =	simm.s32 $0x0;
	s20 =	sshll.u32 s5, $0x1;
	s5 =	sadd.s32 s21, s3  }
0x9d: {  	[timem:s7], [sflag:s22] =	dma.local [hbm:s5], s20  }
0x9e: {  	_ =	swait.ge [sflag:s22], s20  }
0x9f: {  	s4 =	ssub.s32 $0x0, s20;
	[sflag:s22] =	ssyncset.done $0x0  }
0xa0: {  	[sflag:s22] =	ssyncadd.s32 s4;
	_ =	sdelay $0x1  }
0xa1: {  	s23 =	simm.s32 $0x1B8B  }
0xa2: {  	_ =	swait.ge [sflag:s23], $0x1  }
0xa3: {  	[sflag:s23] =	ssyncset.done $0x0  }
0xa4: {  	s25 =	simm.s32 $0x1B8E;
	s24 =	sld [smem:$0x3FFE];
	[sflag:s23] =	ssyncadd.s32 $0xFFFFFFFF  }
0xa5: {  	s26 =	simm.s32 $execute0_lowered;
	[smem:$0x3FD2] =	sst s25  }
0xa6: {  	s5 =	sshll.u32 s26, $0x1;
	_ =	strace $0x80000049;
	[dreg:$0x1] =	wrdreg $0xFFFFFFFF  }
0xa7: {  	s28 =	simm.s32 $_size_execute0_lowered;
	s3 =	sadd.s32 s3, s5;
	[dreg:$0x0] =	wrdreg $0x0  }
0xa8: {  	s5 =	sshll.u32 s28, $0x1;
	[dreg:$0x2] =	wrdreg s3  }
0xa9: {  	[dreg:$0x3] =	wrdreg s5  }
0xaa: {  	[dreg:$0x4] =	wrdreg $0xC0  }
0xab: {  	_ =	task [dreg:s7], $0x5FFFF  }
0xac: {  	[dreg:$0x1] =	wrdreg $0xFFFFFFFF  }
0xad: {  	[dreg:$0x0] =	wrdreg $0x60  }
0xae: {  	[dreg:$0x2] =	wrdreg s24  }
0xaf: {  	[dreg:$0x3] =	wrdreg s2  }
0xb0: {  	[dreg:$0x4] =	wrdreg $0x29800  }
0xb1: {  	[dreg:$0x5] =	wrdreg $0x9  }
0xb2: {  	_ =	task.clear_ibuf [dreg:s7], $0x6FFFF;
	_ =	strace $0x90000049  }
0xb3: {  	s29 =	simm.s32 $0x9;
	_ =	strace $0x8000004B  }
0xb4: {  	_ =	swait.ge [sflag:s29], $0x1  }
0xb5: {  	[sflag:s29] =	ssyncadd.s32 $0xFFFFFFFF  }
0xb6: {  	_ =	strace $0x9000004B  }
0xb7: {  	_ =	sfence  }
0xb8: {  	s30 =	sld [smem:$0x0];
	_ =	sdelay $0x2  }
0xb9: {  	s31 =	sshll.u32 s1, $0xD;
	s1 =	sshrl.u32 s1, $0x2  }
0xba: {  	s3 =	sand.u32 $0x4000, s31;
	s1 =	sadd.s32 s1, s30  }
0xbb: {  	s0 =	sor.u32 s3, s0;
	s1 =	sshll.u32 s1, $0x11  }
0xbc: {  	s0 =	sor.u32 s1, s0  }
0xbd: {  	s0 =	sadd.s32 $0x8F2B, s0  }
0xbe: {  	[sflag:s0] =	ssyncadd.remote.s32 $0x1  }
0xbf: {  	_ =	sfence.sel $0xFFFF  }
0xc0: {  	[dreg:$0x0] =	wrdreg $0xFFFFFFFF;
	(pc) =	sbr.abs _section_cstart, $3  }
0xc1: {  	[dreg:$0x1] =	wrdreg $0xFFFFFFFF  }
0xc2: {  	_ =	task.clear_ibuf [dreg:s7], $0x2FFFF;
	_ =	strace $0x9FFFFFFF  }
0xc3: {  	(tm) =	ssettm $0x7FFFFFFF  }
tec
execute0_lowered:
.L_overlay_start_1:
0x0: {  	(tag) =	ssettag $0x1  }
0x1: {  	s8 =	rddreg [dreg:$0x0]  }
0x2: {  	s1 =	rddreg [dreg:$0x1]  }
0x3: {  	s2 =	rddreg [dreg:$0x2]  }
0x4: {  	s3 =	srdreg.scid;
	s0 =	rddreg [dreg:$0x3];
	s4 =	simm.s32 $0x0  }
0x5: {  	s19 =	simm.s32 $0x180;
	s20 =	simm.s32 $0x2;
	s21 =	simm.s32 $0x80  }
0x6: {  	s22 =	simm.s32 $0x100;
	s23 =	simm.s32 $0x50;
	s9 =	sand.u32 $0x1, s3  }
0x7: {  	s24 =	simm.s32 $0x1;
	s3 =	stileid.u32;
	s6 =	smul.u32 $0x140000, s9  }
0x8: {  	[smem:$0x7FF] =	sst s4;
	s5 =	sadd.s32 $0x15C00, s8;
	s7 =	smul.u32 $0x14000, s3  }
0x9: {  	_ =	strace $0x8000004A;
	s29 =	ssub.s32 $0x2, s9;
	s12 =	sshll.u32 s3, $0x1  }
0xa: {  	s11 =	smul.u32 $0x50000, s3;
	s31 =	sshrl.u32 s29, $0x1;
	s16 =	sor.u32 s9, s12  }
0xb: {  	s10 =	sadd.s32 s7, s6;
	s6 =	sadd.s32 $0x2000, s8;
	s7 =	sadd.s32 $0xBE00, s8  }
0xc: {  	s30 =	sshrl.u32 s11, $0x2;
	s18 =	ssub.s32 s29, s31;
	s10 =	sshrl.u32 s10, $0x3  }
0xd: {  	s16 =	smul.u32 $0x2710, s16;
	s17 =	sadd.s32 s10, s8;
	s8 =	sadd.s32 s30, s2  }
0xe: {  	s18 =	smax.u32 s18, $0x1;
	s9 =	sadd.s32 $0x2800, s8;
	s10 =	sadd.s32 $0x5000, s8  }
0xf: {  	s11 =	sadd.s32 $0x7800, s8;
	s12 =	sadd.s32 $0xA000, s8;
	s13 =	sadd.s32 $0xC800, s8  }
0x10: {  	v0 =	vimm.f32 $0.0e+00;
	s14 =	sadd.s32 $0xF000, s8;
	s15 =	sadd.s32 $0x11800, s8;
	s17 =	sadd.s32 $0x3DC00, s17  }
.LBB2_1:
0x11: {  	s25 =	simm.s32 $0x0;
	s26 =	simm.s32 $0x200  }
.LBB2_2:
0x12: {  	p0 =	sne.s32 s26, $0x9E00;
	[tilespmem:s25+$0x1F0] =	vst v0  }
0x13: {  	[tilespmem:s25+$0x180] =	vst v0  }
0x14: {  	[tilespmem:s25+$0x190] =	vst v0  }
.Ltmp0:
0x15: {  	[tilespmem:s25+$0x1A0] =	vst v0;
	(pc) =	sbr.rel @p0 .LBB2_2-.Ltmp0, $4  }
0x16: {  	[tilespmem:s25+$0x1B0] =	vst v0  }
0x17: {  	[tilespmem:s25+$0x1C0] =	vst v0  }
0x18: {  	[tilespmem:s25+$0x1D0] =	vst v0  }
0x19: {  	[tilespmem:s25+$0x1E0] =	vst v0;
	s25 =	sshra.s32 s26, $0x2;
	s26 =	sadd.s32 $0x200, s26  }
0x1a: {  	[tilespmem:s25+$0x1F0] =	vst v0  }
0x1b: {  	[tilespmem:s25+$0x180] =	vst v0  }
0x1c: {  	[tilespmem:s25+$0x190] =	vst v0  }
0x1d: {  	[tilespmem:s25+$0x1A0] =	vst v0  }
0x1e: {  	[tilespmem:s25+$0x1B0] =	vst v0  }
0x1f: {  	[tilespmem:s25+$0x1C0] =	vst v0  }
0x20: {  	[tilespmem:s25+$0x1D0] =	vst v0  }
0x21: {  	[tilespmem:s25+$0x1E0] =	vst v0  }
0x22: {  	[spmem:s8] =	stream.linear.scatter [tilespmem:s19], [sflag:$0x2], $0x2800, $0x38;
	[tilespmem:$0x16980] =	vst v63  }
0x23: {  	_ =	swait.ge [sflag:s20], $0x2800  }
0x24: {  	[sflag:s20] =	ssyncset.done $0x0  }
0x25: {  	[sflag:s20] =	ssyncadd.s32 $0xFFFFD800  }
0x26: {  	[spmem:s9] =	stream.linear.scatter [tilespmem:s19], [sflag:$0x2], $0x2800, $0x38;
	[tilespmem:$0x16980] =	vst v63  }
0x27: {  	_ =	swait.ge [sflag:s20], $0x2800  }
0x28: {  	[sflag:s20] =	ssyncset.done $0x0  }
0x29: {  	[sflag:s20] =	ssyncadd.s32 $0xFFFFD800  }
0x2a: {  	[spmem:s10] =	stream.linear.scatter [tilespmem:s19], [sflag:$0x2], $0x2800, $0x38;
	[tilespmem:$0x16980] =	vst v63  }
0x2b: {  	_ =	swait.ge [sflag:s20], $0x2800  }
0x2c: {  	[sflag:s20] =	ssyncset.done $0x0  }
0x2d: {  	[sflag:s20] =	ssyncadd.s32 $0xFFFFD800  }
0x2e: {  	[spmem:s11] =	stream.linear.scatter [tilespmem:s19], [sflag:$0x2], $0x2800, $0x38;
	[tilespmem:$0x16980] =	vst v63  }
0x2f: {  	_ =	swait.ge [sflag:s20], $0x2800  }
0x30: {  	[sflag:s20] =	ssyncset.done $0x0  }
0x31: {  	[sflag:s20] =	ssyncadd.s32 $0xFFFFD800  }
0x32: {  	[spmem:s12] =	stream.linear.scatter [tilespmem:s19], [sflag:$0x2], $0x2800, $0x38;
	[tilespmem:$0x16980] =	vst v63  }
0x33: {  	_ =	swait.ge [sflag:s20], $0x2800  }
0x34: {  	[sflag:s20] =	ssyncset.done $0x0  }
0x35: {  	[sflag:s20] =	ssyncadd.s32 $0xFFFFD800  }
0x36: {  	[spmem:s13] =	stream.linear.scatter [tilespmem:s19], [sflag:$0x2], $0x2800, $0x38;
	[tilespmem:$0x16980] =	vst v63  }
0x37: {  	_ =	swait.ge [sflag:s20], $0x2800  }
0x38: {  	[sflag:s20] =	ssyncset.done $0x0  }
0x39: {  	[sflag:s20] =	ssyncadd.s32 $0xFFFFD800  }
0x3a: {  	[spmem:s14] =	stream.linear.scatter [tilespmem:s19], [sflag:$0x2], $0x2800, $0x38;
	[tilespmem:$0x16980] =	vst v63  }
0x3b: {  	_ =	swait.ge [sflag:s20], $0x2800  }
0x3c: {  	[sflag:s20] =	ssyncset.done $0x0  }
0x3d: {  	[sflag:s20] =	ssyncadd.s32 $0xFFFFD800  }
0x3e: {  	[spmem:s15] =	stream.linear.scatter [tilespmem:s19], [sflag:$0x2], $0x2800, $0x38;
	[tilespmem:$0x16980] =	vst v63  }
0x3f: {  	_ =	swait.ge [sflag:s20], $0x2800  }
0x40: {  	[sflag:s20] =	ssyncset.done $0x0  }
0x41: {  	[sflag:s20] =	ssyncadd.s32 $0xFFFFD800  }
0x42: {  	s25 =	simm.s32 $0x0;
	s26 =	simm.s32 $0x0;
	[bflag:$0x0] =	sbarrier.arrive $0xFFFF  }
.LBB2_4:
0x43: {  	s28 =	smul.u32 $0x50, s26;
	_ =	sdelay $0x1  }
0x44: {  	s28 =	sadd.s32 s16, s28  }
0x45: {  	s28 =	sshrl.u32 s28, $0x3  }
0x46: {  	s29 =	sadd.s32 s6, s28  }
0x47: {  	[tilespmem:s25], [sflag:$0x2] =	stream.linear.gather [hbm4b:s29+s25], $0x50, $0x38;
	[tilespmem:$0x16980] =	vst v63  }
0x48: {  	_ =	swait.ge [sflag:s20], $0x50  }
0x49: {  	[sflag:s20] =	ssyncset.done $0x0  }
0x4a: {  	s29 =	sadd.s32 s7, s28;
	[sflag:s20] =	ssyncadd.s32 $0xFFFFFFB0  }
0x4b: {  	[tilespmem:s21], [sflag:$0x2] =	stream.linear.gather [hbm4b:s29+s25], $0x50, $0x38;
	[tilespmem:$0x16980] =	vst v63  }
0x4c: {  	_ =	swait.ge [sflag:s20], $0x50  }
0x4d: {  	[sflag:s20] =	ssyncset.done $0x0  }
0x4e: {  	s28 =	sadd.s32 s1, s28;
	[sflag:s20] =	ssyncadd.s32 $0xFFFFFFB0  }
0x4f: {  	[tilespmem:s22], [sflag:$0x2] =	stream.linear.gather [hbm4b:s28+s25], $0x50, $0x38;
	[tilespmem:$0x16980] =	vst v63  }
0x50: {  	_ =	swait.ge [sflag:s20], $0x50  }
0x51: {  	[sflag:s20] =	ssyncset.done $0x0  }
0x52: {  	[sflag:s20] =	ssyncadd.s32 $0xFFFFFFB0  }
0x53: {  	[tilespmem:s19], [sflag:$0x1] =	stream.indirect.gather [hbm4b:s5+s23], $0x80, s25, s23, $0xb8;
	[tilespmem:$0x16980] =	vst v63  }
0x54: {  	_ =	swait.ge [sflag:s24], $0x2800  }
0x55: {  	v1 =	vmov s25;
	[sflag:s24] =	ssyncset.done $0x0  }
0x56: {  	s28 =	simm.s32 $0x1C0;
	[sflag:s24] =	ssyncadd.s32 $0xFFFFD800  }
0x57: {  	v5 =	vld [tilespmem:s28+$0x30]  }
0x58: {  	v8 =	vld [tilespmem:s28+$0x10]  }
0x59: {  	v6 =	vld [tilespmem:s28+$0xFFFFFFC0]  }
0x5a: {  	v2 =	vld.idx.msk [tilespmem:v1+s22+$0x0], $0xffff  }
0x5b: {  	v10 =	vld [tilespmem:s28+$0xFFFFFFE0]  }
0x5c: {  	v1 =	vld [tilespmem:s28+$0xFFFFFFF0]  }
0x5d: {  	v3 =	vld [tilespmem:s28+$0x20]  }
0x5e: {  	v4 =	vld [tilespmem:s28+$0xFFFFFFD0]  }
0x5f: {  	v9 =	vmul.f32 v5, v2;
	v5 =	vld [tilespmem:s28+$0x0]  }
0x60: {  	v7 =	vmul.f32 v6, v2  }
0x61: {  	s30 =	simm.s32 $0x1C0;
	s29 =	simm.s32 $0x1;
	v6 =	vmul.f32 v10, v2;
	v8 =	vmul.f32 v8, v2  }
.LBB2_5:
0x62: {  	p0 =	sne.s32 s29, $0x4F  }
0x63: {  	v4 =	vmul.f32 v4, v2;
	v3 =	vmul.f32 v3, v2;
	[tilespmem:s28+$0x30] =	vst v9;
	s30 =	sadd.s32 $0x80, s30;
	s31 =	smov.u32 s29;
	s29 =	sadd.s32 $0x1, s29  }
0x64: {  	[tilespmem:s28+$0xFFFFFFC0] =	vst v7;
	v7 =	vmul.f32 v1, v2;
	v2 =	vmul.f32 v5, v2  }
0x65: {  	[tilespmem:s28+$0x10] =	vst v8  }
0x66: {  	v5 =	vmov s31;
	[tilespmem:s28+$0xFFFFFFE0] =	vst v6  }
0x67: {  	v1 =	vld [tilespmem:s30+$0xFFFFFFF0];
	[tilespmem:s28+$0xFFFFFFF0] =	vst v7  }
0x68: {  	v6 =	vld [tilespmem:s30+$0x30];
	[tilespmem:s28+$0x0] =	vst v2  }
0x69: {  	v8 =	vld [tilespmem:s30+$0x10];
	[tilespmem:s28+$0x20] =	vst v3  }
0x6a: {  	v7 =	vld [tilespmem:s30+$0xFFFFFFC0];
	[tilespmem:s28+$0xFFFFFFD0] =	vst v4;
	s28 =	smov.u32 s30  }
0x6b: {  	v2 =	vld.idx.msk [tilespmem:v5+s22+$0x0], $0xffff  }
0x6c: {  	v10 =	vld [tilespmem:s30+$0xFFFFFFE0]  }
0x6d: {  	v3 =	vld [tilespmem:s30+$0x20]  }
.Ltmp1:
0x6e: {  	v4 =	vld [tilespmem:s30+$0xFFFFFFD0];
	(pc) =	sbr.rel @p0 .LBB2_5-.Ltmp1, $3  }
0x6f: {  	v5 =	vld [tilespmem:s30+$0x0];
	_ =	sdelay $0x1  }
0x70: {  	v7 =	vmul.f32 v7, v2;
	v9 =	vmul.f32 v6, v2  }
0x71: {  	v8 =	vmul.f32 v8, v2;
	v6 =	vmul.f32 v10, v2  }
0x72: {  	[tilespmem:s28+$0x30] =	vst v9  }
0x73: {  	[tilespmem:s28+$0xFFFFFFC0] =	vst v7  }
0x74: {  	v1 =	vmul.f32 v1, v2;
	[tilespmem:s28+$0x10] =	vst v8  }
0x75: {  	v3 =	vmul.f32 v3, v2;
	[tilespmem:s28+$0xFFFFFFE0] =	vst v6  }
0x76: {  	v5 =	vmul.f32 v5, v2;
	[tilespmem:s28+$0xFFFFFFF0] =	vst v1  }
0x77: {  	s26 =	sadd.s32 $0x1, s26;
	v1 =	vmul.f32 v4, v2;
	[tilespmem:s28+$0x20] =	vst v3  }
0x78: {  	p0 =	sne.s32 s26, $0x7D;
	[tilespmem:s28+$0x0] =	vst v5  }
.Ltmp2:
0x79: {  	[tilespmem:s28+$0xFFFFFFD0] =	vst v1;
	(pc) =	sbr.rel @p0 .LBB2_4-.Ltmp2, $4  }
0x7a: {  	[spmem:s2] =	stream.indirect.scatter.add.f32 [tilespmem:s19], [sflag:$0x2], $0x80, s21, s23, $0xb8;
	[tilespmem:$0x16980] =	vst v63  }
0x7b: {  	_ =	swait.ge [sflag:s20], $0x2800  }
0x7c: {  	[sflag:s20] =	ssyncset.done $0x0  }
0x7d: {  	[sflag:s20] =	ssyncadd.s32 $0xFFFFD800  }
0x7e: {  	s4 =	sadd.s32 $0x1, s4  }
0x7f: {  	s25 =	sshll.u32 s3, $0x6;
	[bflag:$0x0] =	sbarrier.arrive $0xFFFF;
	p0 =	sne.s32 s4, s18  }
.Ltmp3:
0x80: {  	s26 =	sshrl.u32 s8, $0x3;
	s25 =	sor.u32 $0x1C02, s25;
	(pc) =	sbr.rel @p0 .LBB2_1-.Ltmp3, $4  }
0x81: {  	[hbm:s17], [sflag:s25] =	dma.local [spmem:s26], $0x2800  }
0x82: {  	_ =	swait.ge [sflag:s20], $0x2800  }
0x83: {  	[sflag:s20] =	ssyncset.done $0x0  }
0x84: {  	[sflag:s20] =	ssyncadd.s32 $0xFFFFD800  }
0x85: {  	_ =	sfence.sel $0x180000  }
0x86: {  	[bflag:$0x0] =	sbarrier.arrive $0xFFFF  }
0x87: {  	p0 =	sne.s32 s3, $0x0;
	_ =	strace $0x9000004A  }
0x88: {  	s0 =	sadd.s32 @!p0 $0x100000, s0;
	[bflag:$0x2] =	sbarrier.arrive $0xFFFF  }
0x89: {  	[sflag:s0] =	ssyncadd.tile.s32 @!p0 $0x1;
	_ =	shalt  }
.Lfunc_end2:
_tile_overlayer_lowered:
.L_overlay_start_2:
0x8a: {  	(tag) =	ssettag $0x2  }
0x8b: {  	s0 =	rddreg [dreg:$0x0];
	s2 =	stileid.u32  }
0x8c: {  	s1 =	rddreg [dreg:$0x1];
	p0 =	sne.s32 s2, $0x0  }
0x8d: {  	s3 =	rddreg [dreg:$0x2];
	[bflag:$0x3] =	sbarrier.arrive $0xFFFF;
	s2 =	simm.s32 @!p0 $0x1C02  }
0x8e: {  	[timem:s3], [sflag:s2] =	dma.local @!p0 [hbm:s0], s1  }
0x8f: {  	s0 =	simm.s32 @!p0 $0x2  }
0x90: {  	_ =	swait.ge @!p0 [sflag:s0], s1  }
0x91: {  	s1 =	ssub.s32 @!p0 $0x0, s1;
	[sflag:s0] =	ssyncset.done @!p0 $0x0  }
0x92: {  	[sflag:s0] =	ssyncadd.s32 @!p0 s1  }
0x93: {  	[bflag:$0x3] =	sbarrier.arrive $0xFFFF  }
0x94: {  	_ =	shalt  }

// kernel: kernel.14.cloned.1.call-start
scs
__scs_entry_jumppad:
0x0: {  	(pc) =	sbr.rel $0x88, $3  }
0x1: {  	(tag) =	ssettag $0x0;
	lr =	simm.s32 $0x1  }
0x2: {  	[smem:$0x3F98] =	sst lr;
	_ =	strace $0xD0000000  }
0x3: {  	_ = 	snop  }
0x4: {  	_ = 	snop  }
0x5: {  	_ = 	snop  }
0x6: {  	_ = 	snop  }
0x7: {  	_ = 	snop  }
__scs_overlays_trampoline_lowered:
0x8: {  	[smem:$0x3FA7] =	sst s0  }
0x9: {  	[smem:$0x3FA8] =	sst s1  }
0xa: {  	[smem:$0x3FA9] =	sst s2  }
0xb: {  	[smem:$0x3FAA] =	sst s3  }
0xc: {  	[smem:$0x3FAB] =	sst s4  }
0xd: {  	[smem:$0x3FAC] =	sst s5  }
0xe: {  	[smem:$0x3FAD] =	sst s6  }
0xf: {  	[smem:$0x3FAE] =	sst s7  }
0x10: {  	[smem:$0x3FAF] =	sst s8  }
0x11: {  	[smem:$0x3FB0] =	sst s9;
	s0 =	simm.s32 @!p0 $0x0  }
0x12: {  	s1 =	sld [smem:$0x3F96];
	s0 =	simm.s32 @p0 $0x1  }
0x13: {  	[smem:$0x3FB1] =	sst s0;
	s0 =	simm.s32 @!p1 $0x0  }
0x14: {  	s2 =	sld [smem:$0x3F95];
	s0 =	simm.s32 @p1 $0x1  }
0x15: {  	[smem:$0x3FB2] =	sst s0;
	s0 =	simm.s32 @!p2 $0x0  }
0x16: {  	s3 =	sld [smem:$0x3FDB];
	s0 =	simm.s32 @p2 $0x1  }
0x17: {  	s4 =	simm.s32 $0x1BF5;
	[smem:$0x3FB4] =	sst s0  }
0x18: {  	s0 =	sld [smem:$0x3F97];
	_ =	swait.ge [sflag:s4], $0x0  }
0x19: {  	s7 =	sld [smem:$0x3F98]  }
0x1a: {  	s8 =	sadd.s32 $0xFFFFE003, lr  }
0x1b: {  	s9 =	sadd.s32 $0xFFFFFEF7, lr;
	s5 =	simm.s32 $0xFFFFFFFF;
	p2 =	slt.u32 s8, $0xFFFFF086  }
0x1c: {  	p1 =	slt.u32 s9, $0xF7A;
	s5 =	simm.s32 @!p2 $0x0  }
0x1d: {  	s5 =	simm.s32 @p1 $0x1;
	p0 =	seq.s32 s7, s2  }
0x1e: {  	s7 =	smul.u32 @!p0 $0xF7A, s2;
	p2 =	seq.s32 @!p0 s5, $0x0  }
0x1f: {  	s9 =	smul.u32 $0xF7A, s1;
	s8 =	simm.s32 @!p0 $0x1BF5;
	p2 =	por !p2, p0  }
0x20: {  	[sflag:s8] =	ssyncset.s32 @!p0 $0xFFFFF086;
	s6 =	sadd.s32 @!p0 s3, s7;
	s7 =	simm.s32 @!p0 $0x108  }
0x21: {  	s3 =	sadd.s32 s3, s9;
	s6 =	sadd.s32 @!p0 $0x88, s6;
	s7 =	simm.s32 @p2 $0x1082  }
0x22: {  	[simem:s7], [sflag:s8] =	dma.local @!p0 [hbm:s6], $0xF7A  }
0x23: {  	s9 =	sor.u32 $0xD0000000, s2;
	s6 =	simm.s32 $0x108;
	_ =	swait.ge @!p0 [sflag:s8], $0x0  }
0x24: {  	s3 =	sadd.s32 $0x88, s3;
	s6 =	simm.s32 @!p1 $0x1082;
	[sflag:s4] =	ssyncset.s32 $0xFFFFF086  }
0x25: {  	[simem:s6], [sflag:s4] =	dma.local [hbm:s3], $0xF7A  }
0x26: {  	[smem:$0x3F98] =	sst s1;
	(tag) =	ssettag s2;
	_ =	strace s9  }
0x27: {  	s1 =	sld [smem:$0x3FA8]  }
0x28: {  	s2 =	sld [smem:$0x3FA9]  }
0x29: {  	s4 =	sld [smem:$0x3FAB]  }
0x2a: {  	p0 =	seq.s32 s5, $0x0;
	s5 =	sld [smem:$0x3FAC]  }
0x2b: {  	s6 =	sld [smem:$0x3FAD]  }
0x2c: {  	s7 =	sld [smem:$0x3FAE]  }
0x2d: {  	s3 =	simm.s32 $0x108;
	s8 =	sld [smem:$0x3FAF]  }
0x2e: {  	s3 =	simm.s32 @!p0 $0x1082;
	s9 =	sld [smem:$0x3FB0]  }
0x2f: {  	lr =	sadd.s32 s0, s3;
	s0 =	sld [smem:$0x3FA7]  }
0x30: {  	s3 =	sld [smem:$0x3FAA]  }
0x31: {  	[smem:$0x3FB3] =	sst s10  }
0x32: {  	s10 =	sld [smem:$0x3FB1];
	_ =	sdelay $0x3  }
0x33: {  	p0 =	seq.s32 s10, $0x1;
	s10 =	sld [smem:$0x3FB3];
	_ =	sdelay $0x3  }
0x34: {  	[smem:$0x3FB3] =	sst s10  }
0x35: {  	s10 =	sld [smem:$0x3FB2];
	_ =	sdelay $0x3  }
0x36: {  	p1 =	seq.s32 s10, $0x1;
	s10 =	sld [smem:$0x3FB3];
	_ =	sdelay $0x3  }
0x37: {  	[smem:$0x3FB3] =	sst s10  }
0x38: {  	s10 =	sld [smem:$0x3FB4]  }
0x39: {  	_ = 	snop;
	(pc) =	sbr.ind lr, $3  }
0x3a: {  	_ = 	snop  }
0x3b: {  	_ = 	snop  }
0x3c: {  	p2 =	seq.s32 s10, $0x1;
	s10 =	sld [smem:$0x3FB3]  }
0x3d: {  	_ =	shalt  }
0x3e: {  	_ =	shalt  }
0x3f: {  	_ =	shalt  }
0x40: {  	_ =	shalt  }
0x41: {  	_ =	shalt  }
0x42: {  	_ =	shalt  }
0x43: {  	_ =	shalt  }
0x44: {  	_ =	shalt  }
0x45: {  	_ =	shalt  }
0x46: {  	_ =	shalt  }
0x47: {  	_ =	shalt  }
0x48: {  	_ =	shalt  }
0x49: {  	_ =	shalt  }
0x4a: {  	_ =	shalt  }
0x4b: {  	_ =	shalt  }
0x4c: {  	_ =	shalt  }
0x4d: {  	_ =	shalt  }
0x4e: {  	_ =	shalt  }
0x4f: {  	_ =	shalt  }
0x50: {  	_ =	shalt  }
0x51: {  	_ =	shalt  }
0x52: {  	_ =	shalt  }
0x53: {  	_ =	shalt  }
0x54: {  	_ =	shalt  }
0x55: {  	_ =	shalt  }
0x56: {  	_ =	shalt  }
0x57: {  	_ =	shalt  }
0x58: {  	_ =	shalt  }
0x59: {  	_ =	shalt  }
0x5a: {  	_ =	shalt  }
0x5b: {  	_ =	shalt  }
0x5c: {  	_ =	shalt  }
0x5d: {  	_ =	shalt  }
0x5e: {  	_ =	shalt  }
0x5f: {  	_ =	shalt  }
0x60: {  	_ =	shalt  }
0x61: {  	_ =	shalt  }
0x62: {  	_ =	shalt  }
0x63: {  	_ =	shalt  }
0x64: {  	_ =	shalt  }
0x65: {  	_ =	shalt  }
0x66: {  	_ =	shalt  }
0x67: {  	_ =	shalt  }
0x68: {  	_ =	shalt  }
0x69: {  	_ =	shalt  }
0x6a: {  	_ =	shalt  }
0x6b: {  	_ =	shalt  }
0x6c: {  	_ =	shalt  }
0x6d: {  	_ =	shalt  }
0x6e: {  	_ =	shalt  }
0x6f: {  	_ =	shalt  }
0x70: {  	_ =	shalt  }
0x71: {  	_ =	shalt  }
0x72: {  	_ =	shalt  }
0x73: {  	_ =	shalt  }
0x74: {  	_ =	shalt  }
0x75: {  	_ =	shalt  }
0x76: {  	_ =	shalt  }
0x77: {  	_ =	shalt  }
0x78: {  	_ =	shalt  }
0x79: {  	_ =	shalt  }
0x7a: {  	_ =	shalt  }
0x7b: {  	_ =	shalt  }
0x7c: {  	_ =	shalt  }
0x7d: {  	_ =	shalt  }
0x7e: {  	_ =	shalt  }
0x7f: {  	_ =	shalt  }
0x80: {  	_ =	shalt  }
0x81: {  	_ =	shalt  }
0x82: {  	_ =	shalt  }
0x83: {  	_ =	shalt  }
0x84: {  	_ =	shalt  }
0x85: {  	_ =	shalt  }
0x86: {  	_ =	shalt  }
0x87: {  	_ =	shalt  }
.Lfunc_end0:
.L_simem_size_0:
called_computation.2_lowered:
.L_overlay_start_0:
0x88: {  	s2 =	sld [smem:$0x3FD9]  }
0x89: {  	s3 =	sld [smem:$0x3FFE];
	_ =	sdelay $0x1  }
0x8a: {  	s1 =	srdreg.scid  }
0x8b: {  	s0 =	sand.u32 $0x1, s1  }
0x8c: {  	s17 =	sshll.u32 s0, $0xA;
	s2 =	sadd.s32 s3, s2  }
0x8d: {  	s2 =	sadd.s32 s2, s17  }
0x8e: {  	[smem:$0x3FBF] =	sst s2  }
0x8f: {  	_ = 	snop  }
0x90: {  	s2 =	sld [smem:$0x3FC6];
	(tm) =	ssettm $0x1  }
0x91: {  	s18 =	sld [smem:$0x3FFB];
	_ =	sdelay $0x3  }
0x92: {  	_ =	strace s18  }
0x93: {  	s3 =	sld [smem:$0x3FFC];
	_ =	sdelay $0x3  }
0x94: {  	_ =	strace s3  }
0x95: {  	s3 =	sld [smem:$0x3FFD];
	_ =	sdelay $0x3  }
0x96: {  	_ =	strace s3  }
0x97: {  	_ =	strace $0x8FFFFFFF  }
0x98: {  	s19 =	sld [smem:$0x3FDB];
	_ =	sdelay $0x1  }
0x99: {  	s4 =	simm.s32 $_scs_section_size  }
0x9a: {  	s5 =	simm.s32 $_size__tile_overlayer_lowered;
	s6 =	simm.s32 $_tile_overlayer_lowered  }
0x9b: {  	s22 =	simm.s32 $0x1BFF;
	s21 =	sshll.u32 s6, $0x1;
	s3 =	sadd.s32 s4, s19  }
0x9c: {  	s7 =	simm.s32 $0x0;
	s20 =	sshll.u32 s5, $0x1;
	s5 =	sadd.s32 s21, s3  }
0x9d: {  	[timem:s7], [sflag:s22] =	dma.local [hbm:s5], s20  }
0x9e: {  	_ =	swait.ge [sflag:s22], s20  }
0x9f: {  	s4 =	ssub.s32 $0x0, s20;
	[sflag:s22] =	ssyncset.done $0x0  }
0xa0: {  	[sflag:s22] =	ssyncadd.s32 s4;
	_ =	sdelay $0x1  }
0xa1: {  	s23 =	simm.s32 $0x1B8B  }
0xa2: {  	_ =	swait.ge [sflag:s23], $0x1  }
0xa3: {  	[sflag:s23] =	ssyncset.done $0x0  }
0xa4: {  	s25 =	simm.s32 $0x1B8E;
	s24 =	sld [smem:$0x3FFE];
	[sflag:s23] =	ssyncadd.s32 $0xFFFFFFFF  }
0xa5: {  	s26 =	simm.s32 $execute0_lowered;
	[smem:$0x3FD2] =	sst s25  }
0xa6: {  	s5 =	sshll.u32 s26, $0x1;
	_ =	strace $0x8000004C;
	[dreg:$0x1] =	wrdreg $0xFFFFFFFF  }
0xa7: {  	s28 =	simm.s32 $_size_execute0_lowered;
	s3 =	sadd.s32 s3, s5;
	[dreg:$0x0] =	wrdreg $0x0  }
0xa8: {  	s5 =	sshll.u32 s28, $0x1;
	[dreg:$0x2] =	wrdreg s3  }
0xa9: {  	[dreg:$0x3] =	wrdreg s5  }
0xaa: {  	[dreg:$0x4] =	wrdreg $0xC0  }
0xab: {  	_ =	task [dreg:s7], $0x5FFFF  }
0xac: {  	[dreg:$0x1] =	wrdreg $0xFFFFFFFF  }
0xad: {  	[dreg:$0x0] =	wrdreg $0x60  }
0xae: {  	[dreg:$0x2] =	wrdreg s24  }
0xaf: {  	[dreg:$0x3] =	wrdreg s2  }
0xb0: {  	[dreg:$0x4] =	wrdreg $0x29800  }
0xb1: {  	[dreg:$0x5] =	wrdreg $0x9  }
0xb2: {  	_ =	task.clear_ibuf [dreg:s7], $0x6FFFF;
	_ =	strace $0x9000004C  }
0xb3: {  	s29 =	simm.s32 $0x9;
	_ =	strace $0x8000004E  }
0xb4: {  	_ =	swait.ge [sflag:s29], $0x1  }
0xb5: {  	[sflag:s29] =	ssyncadd.s32 $0xFFFFFFFF  }
0xb6: {  	_ =	strace $0x9000004E  }
0xb7: {  	_ =	sfence  }
0xb8: {  	s30 =	sld [smem:$0x0];
	_ =	sdelay $0x2  }
0xb9: {  	s31 =	sshll.u32 s1, $0xD;
	s1 =	sshrl.u32 s1, $0x2  }
0xba: {  	s3 =	sand.u32 $0x4000, s31;
	s1 =	sadd.s32 s1, s30  }
0xbb: {  	s0 =	sor.u32 s3, s0;
	s1 =	sshll.u32 s1, $0x11  }
0xbc: {  	s0 =	sor.u32 s1, s0  }
0xbd: {  	s0 =	sadd.s32 $0x8F2B, s0  }
0xbe: {  	[sflag:s0] =	ssyncadd.remote.s32 $0x1  }
0xbf: {  	_ =	sfence.sel $0xFFFF  }
0xc0: {  	[dreg:$0x0] =	wrdreg $0xFFFFFFFF;
	(pc) =	sbr.abs _section_cstart, $3  }
0xc1: {  	[dreg:$0x1] =	wrdreg $0xFFFFFFFF  }
0xc2: {  	_ =	task.clear_ibuf [dreg:s7], $0x2FFFF;
	_ =	strace $0x9FFFFFFF  }
0xc3: {  	(tm) =	ssettm $0x7FFFFFFF  }
tec
execute0_lowered:
.L_overlay_start_1:
0x0: {  	(tag) =	ssettag $0x1  }
0x1: {  	s8 =	rddreg [dreg:$0x0]  }
0x2: {  	s1 =	rddreg [dreg:$0x1]  }
0x3: {  	s2 =	rddreg [dreg:$0x2]  }
0x4: {  	s3 =	srdreg.scid;
	s0 =	rddreg [dreg:$0x3];
	s4 =	simm.s32 $0x0  }
0x5: {  	s19 =	simm.s32 $0x180;
	s20 =	simm.s32 $0x2;
	s21 =	simm.s32 $0x80  }
0x6: {  	s22 =	simm.s32 $0x100;
	s23 =	simm.s32 $0x50;
	s9 =	sand.u32 $0x1, s3  }
0x7: {  	s24 =	simm.s32 $0x1;
	s3 =	stileid.u32;
	s6 =	smul.u32 $0x140000, s9  }
0x8: {  	[smem:$0x7FF] =	sst s4;
	s5 =	sadd.s32 $0x15C00, s8;
	s7 =	smul.u32 $0x14000, s3  }
0x9: {  	_ =	strace $0x8000004D;
	s29 =	ssub.s32 $0x2, s9;
	s12 =	sshll.u32 s3, $0x1  }
0xa: {  	s11 =	smul.u32 $0x50000, s3;
	s31 =	sshrl.u32 s29, $0x1;
	s16 =	sor.u32 s9, s12  }
0xb: {  	s10 =	sadd.s32 s7, s6;
	s6 =	sadd.s32 $0x2000, s8;
	s7 =	sadd.s32 $0xBE00, s8  }
0xc: {  	s30 =	sshrl.u32 s11, $0x2;
	s18 =	ssub.s32 s29, s31;
	s10 =	sshrl.u32 s10, $0x3  }
0xd: {  	s16 =	smul.u32 $0x2710, s16;
	s17 =	sadd.s32 s10, s8;
	s8 =	sadd.s32 s30, s2  }
0xe: {  	s18 =	smax.u32 s18, $0x1;
	s9 =	sadd.s32 $0x2800, s8;
	s10 =	sadd.s32 $0x5000, s8  }
0xf: {  	s11 =	sadd.s32 $0x7800, s8;
	s12 =	sadd.s32 $0xA000, s8;
	s13 =	sadd.s32 $0xC800, s8  }
0x10: {  	v0 =	vimm.f32 $0.0e+00;
	s14 =	sadd.s32 $0xF000, s8;
	s15 =	sadd.s32 $0x11800, s8;
	s17 =	sadd.s32 $0x3DC00, s17  }
.LBB2_1:
0x11: {  	s25 =	simm.s32 $0x0;
	s26 =	simm.s32 $0x200  }
.LBB2_2:
0x12: {  	p0 =	sne.s32 s26, $0x9E00;
	[tilespmem:s25+$0x1F0] =	vst v0  }
0x13: {  	[tilespmem:s25+$0x180] =	vst v0  }
0x14: {  	[tilespmem:s25+$0x190] =	vst v0  }
.Ltmp0:
0x15: {  	[tilespmem:s25+$0x1A0] =	vst v0;
	(pc) =	sbr.rel @p0 .LBB2_2-.Ltmp0, $4  }
0x16: {  	[tilespmem:s25+$0x1B0] =	vst v0  }
0x17: {  	[tilespmem:s25+$0x1C0] =	vst v0  }
0x18: {  	[tilespmem:s25+$0x1D0] =	vst v0  }
0x19: {  	[tilespmem:s25+$0x1E0] =	vst v0;
	s25 =	sshra.s32 s26, $0x2;
	s26 =	sadd.s32 $0x200, s26  }
0x1a: {  	[tilespmem:s25+$0x1F0] =	vst v0  }
0x1b: {  	[tilespmem:s25+$0x180] =	vst v0  }
0x1c: {  	[tilespmem:s25+$0x190] =	vst v0  }
0x1d: {  	[tilespmem:s25+$0x1A0] =	vst v0  }
0x1e: {  	[tilespmem:s25+$0x1B0] =	vst v0  }
0x1f: {  	[tilespmem:s25+$0x1C0] =	vst v0  }
0x20: {  	[tilespmem:s25+$0x1D0] =	vst v0  }
0x21: {  	[tilespmem:s25+$0x1E0] =	vst v0  }
0x22: {  	[spmem:s8] =	stream.linear.scatter [tilespmem:s19], [sflag:$0x2], $0x2800, $0x38;
	[tilespmem:$0x16980] =	vst v63  }
0x23: {  	_ =	swait.ge [sflag:s20], $0x2800  }
0x24: {  	[sflag:s20] =	ssyncset.done $0x0  }
0x25: {  	[sflag:s20] =	ssyncadd.s32 $0xFFFFD800  }
0x26: {  	[spmem:s9] =	stream.linear.scatter [tilespmem:s19], [sflag:$0x2], $0x2800, $0x38;
	[tilespmem:$0x16980] =	vst v63  }
0x27: {  	_ =	swait.ge [sflag:s20], $0x2800  }
0x28: {  	[sflag:s20] =	ssyncset.done $0x0  }
0x29: {  	[sflag:s20] =	ssyncadd.s32 $0xFFFFD800  }
0x2a: {  	[spmem:s10] =	stream.linear.scatter [tilespmem:s19], [sflag:$0x2], $0x2800, $0x38;
	[tilespmem:$0x16980] =	vst v63  }
0x2b: {  	_ =	swait.ge [sflag:s20], $0x2800  }
0x2c: {  	[sflag:s20] =	ssyncset.done $0x0  }
0x2d: {  	[sflag:s20] =	ssyncadd.s32 $0xFFFFD800  }
0x2e: {  	[spmem:s11] =	stream.linear.scatter [tilespmem:s19], [sflag:$0x2], $0x2800, $0x38;
	[tilespmem:$0x16980] =	vst v63  }
0x2f: {  	_ =	swait.ge [sflag:s20], $0x2800  }
0x30: {  	[sflag:s20] =	ssyncset.done $0x0  }
0x31: {  	[sflag:s20] =	ssyncadd.s32 $0xFFFFD800  }
0x32: {  	[spmem:s12] =	stream.linear.scatter [tilespmem:s19], [sflag:$0x2], $0x2800, $0x38;
	[tilespmem:$0x16980] =	vst v63  }
0x33: {  	_ =	swait.ge [sflag:s20], $0x2800  }
0x34: {  	[sflag:s20] =	ssyncset.done $0x0  }
0x35: {  	[sflag:s20] =	ssyncadd.s32 $0xFFFFD800  }
0x36: {  	[spmem:s13] =	stream.linear.scatter [tilespmem:s19], [sflag:$0x2], $0x2800, $0x38;
	[tilespmem:$0x16980] =	vst v63  }
0x37: {  	_ =	swait.ge [sflag:s20], $0x2800  }
0x38: {  	[sflag:s20] =	ssyncset.done $0x0  }
0x39: {  	[sflag:s20] =	ssyncadd.s32 $0xFFFFD800  }
0x3a: {  	[spmem:s14] =	stream.linear.scatter [tilespmem:s19], [sflag:$0x2], $0x2800, $0x38;
	[tilespmem:$0x16980] =	vst v63  }
0x3b: {  	_ =	swait.ge [sflag:s20], $0x2800  }
0x3c: {  	[sflag:s20] =	ssyncset.done $0x0  }
0x3d: {  	[sflag:s20] =	ssyncadd.s32 $0xFFFFD800  }
0x3e: {  	[spmem:s15] =	stream.linear.scatter [tilespmem:s19], [sflag:$0x2], $0x2800, $0x38;
	[tilespmem:$0x16980] =	vst v63  }
0x3f: {  	_ =	swait.ge [sflag:s20], $0x2800  }
0x40: {  	[sflag:s20] =	ssyncset.done $0x0  }
0x41: {  	[sflag:s20] =	ssyncadd.s32 $0xFFFFD800  }
0x42: {  	s25 =	simm.s32 $0x0;
	s26 =	simm.s32 $0x0;
	[bflag:$0x0] =	sbarrier.arrive $0xFFFF  }
.LBB2_4:
0x43: {  	s28 =	smul.u32 $0x50, s26;
	_ =	sdelay $0x1  }
0x44: {  	s28 =	sadd.s32 s16, s28  }
0x45: {  	s28 =	sshrl.u32 s28, $0x3  }
0x46: {  	s29 =	sadd.s32 s6, s28  }
0x47: {  	[tilespmem:s25], [sflag:$0x2] =	stream.linear.gather [hbm4b:s29+s25], $0x50, $0x38;
	[tilespmem:$0x16980] =	vst v63  }
0x48: {  	_ =	swait.ge [sflag:s20], $0x50  }
0x49: {  	[sflag:s20] =	ssyncset.done $0x0  }
0x4a: {  	s29 =	sadd.s32 s7, s28;
	[sflag:s20] =	ssyncadd.s32 $0xFFFFFFB0  }
0x4b: {  	[tilespmem:s21], [sflag:$0x2] =	stream.linear.gather [hbm4b:s29+s25], $0x50, $0x38;
	[tilespmem:$0x16980] =	vst v63  }
0x4c: {  	_ =	swait.ge [sflag:s20], $0x50  }
0x4d: {  	[sflag:s20] =	ssyncset.done $0x0  }
0x4e: {  	s28 =	sadd.s32 s1, s28;
	[sflag:s20] =	ssyncadd.s32 $0xFFFFFFB0  }
0x4f: {  	[tilespmem:s22], [sflag:$0x2] =	stream.linear.gather [hbm4b:s28+s25], $0x50, $0x38;
	[tilespmem:$0x16980] =	vst v63  }
0x50: {  	_ =	swait.ge [sflag:s20], $0x50  }
0x51: {  	[sflag:s20] =	ssyncset.done $0x0  }
0x52: {  	[sflag:s20] =	ssyncadd.s32 $0xFFFFFFB0  }
0x53: {  	[tilespmem:s19], [sflag:$0x1] =	stream.indirect.gather [hbm4b:s5+s23], $0x80, s25, s23, $0xb8;
	[tilespmem:$0x16980] =	vst v63  }
0x54: {  	_ =	swait.ge [sflag:s24], $0x2800  }
0x55: {  	v1 =	vmov s25;
	[sflag:s24] =	ssyncset.done $0x0  }
0x56: {  	s28 =	simm.s32 $0x1C0;
	[sflag:s24] =	ssyncadd.s32 $0xFFFFD800  }
0x57: {  	v5 =	vld [tilespmem:s28+$0x30]  }
0x58: {  	v8 =	vld [tilespmem:s28+$0x10]  }
0x59: {  	v6 =	vld [tilespmem:s28+$0xFFFFFFC0]  }
0x5a: {  	v2 =	vld.idx.msk [tilespmem:v1+s22+$0x0], $0xffff  }
0x5b: {  	v10 =	vld [tilespmem:s28+$0xFFFFFFE0]  }
0x5c: {  	v1 =	vld [tilespmem:s28+$0xFFFFFFF0]  }
0x5d: {  	v3 =	vld [tilespmem:s28+$0x20]  }
0x5e: {  	v4 =	vld [tilespmem:s28+$0xFFFFFFD0]  }
0x5f: {  	v9 =	vmul.f32 v5, v2;
	v5 =	vld [tilespmem:s28+$0x0]  }
0x60: {  	v7 =	vmul.f32 v6, v2  }
0x61: {  	s30 =	simm.s32 $0x1C0;
	s29 =	simm.s32 $0x1;
	v6 =	vmul.f32 v10, v2;
	v8 =	vmul.f32 v8, v2  }
.LBB2_5:
0x62: {  	p0 =	sne.s32 s29, $0x4F  }
0x63: {  	v4 =	vmul.f32 v4, v2;
	v3 =	vmul.f32 v3, v2;
	[tilespmem:s28+$0x30] =	vst v9;
	s30 =	sadd.s32 $0x80, s30;
	s31 =	smov.u32 s29;
	s29 =	sadd.s32 $0x1, s29  }
0x64: {  	[tilespmem:s28+$0xFFFFFFC0] =	vst v7;
	v7 =	vmul.f32 v1, v2;
	v2 =	vmul.f32 v5, v2  }
0x65: {  	[tilespmem:s28+$0x10] =	vst v8  }
0x66: {  	v5 =	vmov s31;
	[tilespmem:s28+$0xFFFFFFE0] =	vst v6  }
0x67: {  	v1 =	vld [tilespmem:s30+$0xFFFFFFF0];
	[tilespmem:s28+$0xFFFFFFF0] =	vst v7  }
0x68: {  	v6 =	vld [tilespmem:s30+$0x30];
	[tilespmem:s28+$0x0] =	vst v2  }
0x69: {  	v8 =	vld [tilespmem:s30+$0x10];
	[tilespmem:s28+$0x20] =	vst v3  }
0x6a: {  	v7 =	vld [tilespmem:s30+$0xFFFFFFC0];
	[tilespmem:s28+$0xFFFFFFD0] =	vst v4;
	s28 =	smov.u32 s30  }
0x6b: {  	v2 =	vld.idx.msk [tilespmem:v5+s22+$0x0], $0xffff  }
0x6c: {  	v10 =	vld [tilespmem:s30+$0xFFFFFFE0]  }
0x6d: {  	v3 =	vld [tilespmem:s30+$0x20]  }
.Ltmp1:
0x6e: {  	v4 =	vld [tilespmem:s30+$0xFFFFFFD0];
	(pc) =	sbr.rel @p0 .LBB2_5-.Ltmp1, $3  }
0x6f: {  	v5 =	vld [tilespmem:s30+$0x0];
	_ =	sdelay $0x1  }
0x70: {  	v7 =	vmul.f32 v7, v2;
	v9 =	vmul.f32 v6, v2  }
0x71: {  	v8 =	vmul.f32 v8, v2;
	v6 =	vmul.f32 v10, v2  }
0x72: {  	[tilespmem:s28+$0x30] =	vst v9  }
0x73: {  	[tilespmem:s28+$0xFFFFFFC0] =	vst v7  }
0x74: {  	v1 =	vmul.f32 v1, v2;
	[tilespmem:s28+$0x10] =	vst v8  }
0x75: {  	v3 =	vmul.f32 v3, v2;
	[tilespmem:s28+$0xFFFFFFE0] =	vst v6  }
0x76: {  	v5 =	vmul.f32 v5, v2;
	[tilespmem:s28+$0xFFFFFFF0] =	vst v1  }
0x77: {  	s26 =	sadd.s32 $0x1, s26;
	v1 =	vmul.f32 v4, v2;
	[tilespmem:s28+$0x20] =	vst v3  }
0x78: {  	p0 =	sne.s32 s26, $0x7D;
	[tilespmem:s28+$0x0] =	vst v5  }
.Ltmp2:
0x79: {  	[tilespmem:s28+$0xFFFFFFD0] =	vst v1;
	(pc) =	sbr.rel @p0 .LBB2_4-.Ltmp2, $4  }
0x7a: {  	[spmem:s2] =	stream.indirect.scatter.add.f32 [tilespmem:s19], [sflag:$0x2], $0x80, s21, s23, $0xb8;
	[tilespmem:$0x16980] =	vst v63  }
0x7b: {  	_ =	swait.ge [sflag:s20], $0x2800  }
0x7c: {  	[sflag:s20] =	ssyncset.done $0x0  }
0x7d: {  	[sflag:s20] =	ssyncadd.s32 $0xFFFFD800  }
0x7e: {  	s4 =	sadd.s32 $0x1, s4  }
0x7f: {  	s25 =	sshll.u32 s3, $0x6;
	[bflag:$0x0] =	sbarrier.arrive $0xFFFF;
	p0 =	sne.s32 s4, s18  }
.Ltmp3:
0x80: {  	s26 =	sshrl.u32 s8, $0x3;
	s25 =	sor.u32 $0x1C02, s25;
	(pc) =	sbr.rel @p0 .LBB2_1-.Ltmp3, $4  }
0x81: {  	[hbm:s17], [sflag:s25] =	dma.local [spmem:s26], $0x2800  }
0x82: {  	_ =	swait.ge [sflag:s20], $0x2800  }
0x83: {  	[sflag:s20] =	ssyncset.done $0x0  }
0x84: {  	[sflag:s20] =	ssyncadd.s32 $0xFFFFD800  }
0x85: {  	_ =	sfence.sel $0x180000  }
0x86: {  	[bflag:$0x0] =	sbarrier.arrive $0xFFFF  }
0x87: {  	p0 =	sne.s32 s3, $0x0;
	_ =	strace $0x9000004D  }
0x88: {  	s0 =	sadd.s32 @!p0 $0x100000, s0;
	[bflag:$0x2] =	sbarrier.arrive $0xFFFF  }
0x89: {  	[sflag:s0] =	ssyncadd.tile.s32 @!p0 $0x1;
	_ =	shalt  }
.Lfunc_end2:
_tile_overlayer_lowered:
.L_overlay_start_2:
0x8a: {  	(tag) =	ssettag $0x2  }
0x8b: {  	s0 =	rddreg [dreg:$0x0];
	s2 =	stileid.u32  }
0x8c: {  	s1 =	rddreg [dreg:$0x1];
	p0 =	sne.s32 s2, $0x0  }
0x8d: {  	s3 =	rddreg [dreg:$0x2];
	[bflag:$0x3] =	sbarrier.arrive $0xFFFF;
	s2 =	simm.s32 @!p0 $0x1C02  }
0x8e: {  	[timem:s3], [sflag:s2] =	dma.local @!p0 [hbm:s0], s1  }
0x8f: {  	s0 =	simm.s32 @!p0 $0x2  }
0x90: {  	_ =	swait.ge @!p0 [sflag:s0], s1  }
0x91: {  	s1 =	ssub.s32 @!p0 $0x0, s1;
	[sflag:s0] =	ssyncset.done @!p0 $0x0  }
0x92: {  	[sflag:s0] =	ssyncadd.s32 @!p0 s1  }
0x93: {  	[bflag:$0x3] =	sbarrier.arrive $0xFFFF  }
0x94: {  	_ =	shalt  }

// kernel: kernel.8.cloned.1.call-start
scs
__scs_entry_jumppad:
0x0: {  	(pc) =	sbr.rel $0x88, $3  }
0x1: {  	(tag) =	ssettag $0x0;
	lr =	simm.s32 $0x1  }
0x2: {  	[smem:$0x3F98] =	sst lr;
	_ =	strace $0xD0000000  }
0x3: {  	_ = 	snop  }
0x4: {  	_ = 	snop  }
0x5: {  	_ = 	snop  }
0x6: {  	_ = 	snop  }
0x7: {  	_ = 	snop  }
__scs_overlays_trampoline_lowered:
0x8: {  	[smem:$0x3FA7] =	sst s0  }
0x9: {  	[smem:$0x3FA8] =	sst s1  }
0xa: {  	[smem:$0x3FA9] =	sst s2  }
0xb: {  	[smem:$0x3FAA] =	sst s3  }
0xc: {  	[smem:$0x3FAB] =	sst s4  }
0xd: {  	[smem:$0x3FAC] =	sst s5  }
0xe: {  	[smem:$0x3FAD] =	sst s6  }
0xf: {  	[smem:$0x3FAE] =	sst s7  }
0x10: {  	[smem:$0x3FAF] =	sst s8  }
0x11: {  	[smem:$0x3FB0] =	sst s9;
	s0 =	simm.s32 @!p0 $0x0  }
0x12: {  	s1 =	sld [smem:$0x3F96];
	s0 =	simm.s32 @p0 $0x1  }
0x13: {  	[smem:$0x3FB1] =	sst s0;
	s0 =	simm.s32 @!p1 $0x0  }
0x14: {  	s2 =	sld [smem:$0x3F95];
	s0 =	simm.s32 @p1 $0x1  }
0x15: {  	[smem:$0x3FB2] =	sst s0;
	s0 =	simm.s32 @!p2 $0x0  }
0x16: {  	s3 =	sld [smem:$0x3FDB];
	s0 =	simm.s32 @p2 $0x1  }
0x17: {  	s4 =	simm.s32 $0x1BF5;
	[smem:$0x3FB4] =	sst s0  }
0x18: {  	s0 =	sld [smem:$0x3F97];
	_ =	swait.ge [sflag:s4], $0x0  }
0x19: {  	s7 =	sld [smem:$0x3F98]  }
0x1a: {  	s8 =	sadd.s32 $0xFFFFE003, lr  }
0x1b: {  	s9 =	sadd.s32 $0xFFFFFEF7, lr;
	s5 =	simm.s32 $0xFFFFFFFF;
	p2 =	slt.u32 s8, $0xFFFFF086  }
0x1c: {  	p1 =	slt.u32 s9, $0xF7A;
	s5 =	simm.s32 @!p2 $0x0  }
0x1d: {  	s5 =	simm.s32 @p1 $0x1;
	p0 =	seq.s32 s7, s2  }
0x1e: {  	s7 =	smul.u32 @!p0 $0xF7A, s2;
	p2 =	seq.s32 @!p0 s5, $0x0  }
0x1f: {  	s9 =	smul.u32 $0xF7A, s1;
	s8 =	simm.s32 @!p0 $0x1BF5;
	p2 =	por !p2, p0  }
0x20: {  	[sflag:s8] =	ssyncset.s32 @!p0 $0xFFFFF086;
	s6 =	sadd.s32 @!p0 s3, s7;
	s7 =	simm.s32 @!p0 $0x108  }
0x21: {  	s3 =	sadd.s32 s3, s9;
	s6 =	sadd.s32 @!p0 $0x88, s6;
	s7 =	simm.s32 @p2 $0x1082  }
0x22: {  	[simem:s7], [sflag:s8] =	dma.local @!p0 [hbm:s6], $0xF7A  }
0x23: {  	s9 =	sor.u32 $0xD0000000, s2;
	s6 =	simm.s32 $0x108;
	_ =	swait.ge @!p0 [sflag:s8], $0x0  }
0x24: {  	s3 =	sadd.s32 $0x88, s3;
	s6 =	simm.s32 @!p1 $0x1082;
	[sflag:s4] =	ssyncset.s32 $0xFFFFF086  }
0x25: {  	[simem:s6], [sflag:s4] =	dma.local [hbm:s3], $0xF7A  }
0x26: {  	[smem:$0x3F98] =	sst s1;
	(tag) =	ssettag s2;
	_ =	strace s9  }
0x27: {  	s1 =	sld [smem:$0x3FA8]  }
0x28: {  	s2 =	sld [smem:$0x3FA9]  }
0x29: {  	s4 =	sld [smem:$0x3FAB]  }
0x2a: {  	p0 =	seq.s32 s5, $0x0;
	s5 =	sld [smem:$0x3FAC]  }
0x2b: {  	s6 =	sld [smem:$0x3FAD]  }
0x2c: {  	s7 =	sld [smem:$0x3FAE]  }
0x2d: {  	s3 =	simm.s32 $0x108;
	s8 =	sld [smem:$0x3FAF]  }
0x2e: {  	s3 =	simm.s32 @!p0 $0x1082;
	s9 =	sld [smem:$0x3FB0]  }
0x2f: {  	lr =	sadd.s32 s0, s3;
	s0 =	sld [smem:$0x3FA7]  }
0x30: {  	s3 =	sld [smem:$0x3FAA]  }
0x31: {  	[smem:$0x3FB3] =	sst s10  }
0x32: {  	s10 =	sld [smem:$0x3FB1];
	_ =	sdelay $0x3  }
0x33: {  	p0 =	seq.s32 s10, $0x1;
	s10 =	sld [smem:$0x3FB3];
	_ =	sdelay $0x3  }
0x34: {  	[smem:$0x3FB3] =	sst s10  }
0x35: {  	s10 =	sld [smem:$0x3FB2];
	_ =	sdelay $0x3  }
0x36: {  	p1 =	seq.s32 s10, $0x1;
	s10 =	sld [smem:$0x3FB3];
	_ =	sdelay $0x3  }
0x37: {  	[smem:$0x3FB3] =	sst s10  }
0x38: {  	s10 =	sld [smem:$0x3FB4]  }
0x39: {  	_ = 	snop;
	(pc) =	sbr.ind lr, $3  }
0x3a: {  	_ = 	snop  }
0x3b: {  	_ = 	snop  }
0x3c: {  	p2 =	seq.s32 s10, $0x1;
	s10 =	sld [smem:$0x3FB3]  }
0x3d: {  	_ =	shalt  }
0x3e: {  	_ =	shalt  }
0x3f: {  	_ =	shalt  }
0x40: {  	_ =	shalt  }
0x41: {  	_ =	shalt  }
0x42: {  	_ =	shalt  }
0x43: {  	_ =	shalt  }
0x44: {  	_ =	shalt  }
0x45: {  	_ =	shalt  }
0x46: {  	_ =	shalt  }
0x47: {  	_ =	shalt  }
0x48: {  	_ =	shalt  }
0x49: {  	_ =	shalt  }
0x4a: {  	_ =	shalt  }
0x4b: {  	_ =	shalt  }
0x4c: {  	_ =	shalt  }
0x4d: {  	_ =	shalt  }
0x4e: {  	_ =	shalt  }
0x4f: {  	_ =	shalt  }
0x50: {  	_ =	shalt  }
0x51: {  	_ =	shalt  }
0x52: {  	_ =	shalt  }
0x53: {  	_ =	shalt  }
0x54: {  	_ =	shalt  }
0x55: {  	_ =	shalt  }
0x56: {  	_ =	shalt  }
0x57: {  	_ =	shalt  }
0x58: {  	_ =	shalt  }
0x59: {  	_ =	shalt  }
0x5a: {  	_ =	shalt  }
0x5b: {  	_ =	shalt  }
0x5c: {  	_ =	shalt  }
0x5d: {  	_ =	shalt  }
0x5e: {  	_ =	shalt  }
0x5f: {  	_ =	shalt  }
0x60: {  	_ =	shalt  }
0x61: {  	_ =	shalt  }
0x62: {  	_ =	shalt  }
0x63: {  	_ =	shalt  }
0x64: {  	_ =	shalt  }
0x65: {  	_ =	shalt  }
0x66: {  	_ =	shalt  }
0x67: {  	_ =	shalt  }
0x68: {  	_ =	shalt  }
0x69: {  	_ =	shalt  }
0x6a: {  	_ =	shalt  }
0x6b: {  	_ =	shalt  }
0x6c: {  	_ =	shalt  }
0x6d: {  	_ =	shalt  }
0x6e: {  	_ =	shalt  }
0x6f: {  	_ =	shalt  }
0x70: {  	_ =	shalt  }
0x71: {  	_ =	shalt  }
0x72: {  	_ =	shalt  }
0x73: {  	_ =	shalt  }
0x74: {  	_ =	shalt  }
0x75: {  	_ =	shalt  }
0x76: {  	_ =	shalt  }
0x77: {  	_ =	shalt  }
0x78: {  	_ =	shalt  }
0x79: {  	_ =	shalt  }
0x7a: {  	_ =	shalt  }
0x7b: {  	_ =	shalt  }
0x7c: {  	_ =	shalt  }
0x7d: {  	_ =	shalt  }
0x7e: {  	_ =	shalt  }
0x7f: {  	_ =	shalt  }
0x80: {  	_ =	shalt  }
0x81: {  	_ =	shalt  }
0x82: {  	_ =	shalt  }
0x83: {  	_ =	shalt  }
0x84: {  	_ =	shalt  }
0x85: {  	_ =	shalt  }
0x86: {  	_ =	shalt  }
0x87: {  	_ =	shalt  }
.Lfunc_end0:
.L_simem_size_0:
called_computation_lowered:
.L_overlay_start_0:
0x88: {  	s2 =	sld [smem:$0x3FD9]  }
0x89: {  	s3 =	sld [smem:$0x3FFE];
	_ =	sdelay $0x1  }
0x8a: {  	s1 =	srdreg.scid  }
0x8b: {  	s0 =	sand.u32 $0x1, s1  }
0x8c: {  	s17 =	sshll.u32 s0, $0xA;
	s2 =	sadd.s32 s3, s2  }
0x8d: {  	s2 =	sadd.s32 s2, s17  }
0x8e: {  	[smem:$0x3FBF] =	sst s2  }
0x8f: {  	_ = 	snop  }
0x90: {  	s2 =	sld [smem:$0x3FC6]  }
0x91: {  	s18 =	sld [smem:$0x3FC5];
	(tm) =	ssettm $0x1  }
0x92: {  	s4 =	sld [smem:$0x3FFB];
	_ =	sdelay $0x3  }
0x93: {  	_ =	strace s4  }
0x94: {  	s4 =	sld [smem:$0x3FFC];
	_ =	sdelay $0x3  }
0x95: {  	_ =	strace s4  }
0x96: {  	s4 =	sld [smem:$0x3FFD];
	_ =	sdelay $0x3  }
0x97: {  	_ =	strace s4  }
0x98: {  	_ =	strace $0x8FFFFFFF  }
0x99: {  	s19 =	sld [smem:$0x3FDB];
	_ =	sdelay $0x1  }
0x9a: {  	s5 =	simm.s32 $_scs_section_size  }
0x9b: {  	s6 =	simm.s32 $_size__tile_overlayer_lowered;
	s7 =	simm.s32 $_tile_overlayer_lowered  }
0x9c: {  	s22 =	simm.s32 $0x1BFF;
	s21 =	sshll.u32 s7, $0x1;
	s4 =	sadd.s32 s5, s19  }
0x9d: {  	s8 =	simm.s32 $0x0;
	s20 =	sshll.u32 s6, $0x1;
	s6 =	sadd.s32 s21, s4  }
0x9e: {  	[timem:s8], [sflag:s22] =	dma.local [hbm:s6], s20  }
0x9f: {  	_ =	swait.ge [sflag:s22], s20  }
0xa0: {  	s5 =	ssub.s32 $0x0, s20;
	[sflag:s22] =	ssyncset.done $0x0  }
0xa1: {  	[sflag:s22] =	ssyncadd.s32 s5;
	_ =	sdelay $0x1  }
0xa2: {  	s23 =	simm.s32 $0x1B8B  }
0xa3: {  	_ =	swait.ge [sflag:s23], $0x1  }
0xa4: {  	[sflag:s23] =	ssyncset.done $0x0  }
0xa5: {  	s25 =	simm.s32 $0x1B8E;
	s24 =	sld [smem:$0x3FFE];
	[sflag:s23] =	ssyncadd.s32 $0xFFFFFFFF  }
0xa6: {  	s26 =	simm.s32 $execute0_lowered;
	[smem:$0x3FD2] =	sst s25  }
0xa7: {  	s6 =	sshll.u32 s26, $0x1;
	_ =	strace $0x80000046;
	[dreg:$0x1] =	wrdreg $0xFFFFFFFF  }
0xa8: {  	s28 =	simm.s32 $_size_execute0_lowered;
	s4 =	sadd.s32 s4, s6;
	[dreg:$0x0] =	wrdreg $0x0  }
0xa9: {  	s6 =	sshll.u32 s28, $0x1;
	[dreg:$0x2] =	wrdreg s4  }
0xaa: {  	[dreg:$0x3] =	wrdreg s6  }
0xab: {  	[dreg:$0x4] =	wrdreg $0xC0  }
0xac: {  	_ =	task [dreg:s8], $0x5FFFF  }
0xad: {  	[dreg:$0x1] =	wrdreg $0xFFFFFFFF  }
0xae: {  	[dreg:$0x0] =	wrdreg $0x60  }
0xaf: {  	[dreg:$0x2] =	wrdreg s24  }
0xb0: {  	[dreg:$0x3] =	wrdreg s2  }
0xb1: {  	[dreg:$0x4] =	wrdreg s18  }
0xb2: {  	[dreg:$0x5] =	wrdreg $0x51800  }
0xb3: {  	[dreg:$0x6] =	wrdreg $0x9  }
0xb4: {  	_ =	task.clear_ibuf [dreg:s8], $0x7FFFF;
	_ =	strace $0x90000046  }
0xb5: {  	s29 =	simm.s32 $0x9;
	_ =	strace $0x80000048  }
0xb6: {  	_ =	swait.ge [sflag:s29], $0x1  }
0xb7: {  	[sflag:s29] =	ssyncadd.s32 $0xFFFFFFFF  }
0xb8: {  	_ =	strace $0x90000048  }
0xb9: {  	_ =	sfence  }
0xba: {  	s30 =	sld [smem:$0x0];
	_ =	sdelay $0x2  }
0xbb: {  	s31 =	sshll.u32 s1, $0xD;
	s1 =	sshrl.u32 s1, $0x2  }
0xbc: {  	s3 =	sand.u32 $0x4000, s31;
	s1 =	sadd.s32 s1, s30  }
0xbd: {  	s0 =	sor.u32 s3, s0;
	s1 =	sshll.u32 s1, $0x11  }
0xbe: {  	s0 =	sor.u32 s1, s0  }
0xbf: {  	s0 =	sadd.s32 $0x8F2B, s0  }
0xc0: {  	[sflag:s0] =	ssyncadd.remote.s32 $0x1  }
0xc1: {  	_ =	sfence.sel $0xFFFF  }
0xc2: {  	[dreg:$0x0] =	wrdreg $0xFFFFFFFF;
	(pc) =	sbr.abs _section_cstart, $3  }
0xc3: {  	[dreg:$0x1] =	wrdreg $0xFFFFFFFF  }
0xc4: {  	_ =	task.clear_ibuf [dreg:s8], $0x2FFFF;
	_ =	strace $0x9FFFFFFF  }
0xc5: {  	(tm) =	ssettm $0x7FFFFFFF  }
tec
execute0_lowered:
.L_overlay_start_1:
0x0: {  	(tag) =	ssettag $0x1  }
0x1: {  	s0 =	rddreg [dreg:$0x0]  }
0x2: {  	s2 =	rddreg [dreg:$0x1]  }
0x3: {  	s3 =	rddreg [dreg:$0x2]  }
0x4: {  	s4 =	rddreg [dreg:$0x3]  }
0x5: {  	s13 =	stileid.u32;
	s1 =	srdreg.scid;
	s5 =	simm.s32 $0x0  }
0x6: {  	s28 =	simm.s32 $0x2980;
	s29 =	simm.s32 $0x0;
	s7 =	smul.u32 $0x14000, s13  }
0x7: {  	s1 =	sand.u32 $0x1, s1;
	[smem:$0x7FF] =	sst s5;
	s19 =	sadd.s32 $0x15C00, s0  }
0x8: {  	s6 =	sadd.s32 $0xBE00, s0;
	s20 =	sadd.s32 $0x3E200, s0;
	s12 =	smul.u32 $0x50000, s13  }
0x9: {  	s10 =	sshll.u32 s13, $0x1;
	s16 =	sshll.u32 s13, $0x6;
	s8 =	smul.u32 $0x140000, s1  }
0xa: {  	_ =	strace $0x80000047;
	s14 =	ssub.s32 $0x2, s1;
	s1 =	sor.u32 s1, s10  }
0xb: {  	s10 =	sor.u32 $0x1C02, s16;
	s9 =	sshrl.u32 s7, $0x3;
	s17 =	smul.u32 $0x140, s1  }
0xc: {  	s11 =	sshrl.u32 s14, $0x1;
	s18 =	smul.u32 $0x1400, s1;
	s9 =	sadd.s32 s9, s0  }
0xd: {  	s7 =	sadd.s32 s7, s8;
	s8 =	sshrl.u32 s12, $0x2;
	s12 =	ssub.s32 s14, s11  }
0xe: {  	s7 =	sshrl.u32 s7, $0x3;
	s15 =	sadd.s32 s8, s4;
	s8 =	sadd.s32 $0x16200, s9  }
0xf: {  	s9 =	smul.u32 $0x2710, s1;
	s12 =	smax.u32 s12, $0x1;
	s21 =	sshrl.u32 s17, $0x3  }
0x10: {  	s16 =	sadd.s32 $0x50, s17;
	s14 =	sadd.s32 s20, s18;
	s24 =	sadd.s32 $0xA0, s17  }
0x11: {  	s0 =	sadd.s32 s7, s0;
	[dreg:$0x5] =	wrdreg s15;
	s13 =	sadd.s32 s19, s21  }
0x12: {  	s22 =	sshrl.u32 s16, $0x3;
	s23 =	sshll.u32 s16, $0x4;
	s25 =	sshrl.u32 s24, $0x3  }
0x13: {  	s21 =	sadd.s32 $0xF0, s17;
	s26 =	sshll.u32 s24, $0x4;
	s24 =	simm.s32 $0x1  }
0x14: {  	s7 =	simm.s32 $0x0;
	s11 =	sadd.s32 $0x66200, s0;
	s15 =	sadd.s32 s19, s22  }
0x15: {  	s16 =	sadd.s32 s20, s23;
	s17 =	sadd.s32 s19, s25;
	s30 =	sshrl.u32 s21, $0x3  }
0x16: {  	s18 =	sadd.s32 s20, s26;
	s31 =	sshll.u32 s21, $0x4;
	s21 =	simm.s32 $0x2  }
0x17: {  	s22 =	simm.s32 $0x50;
	s23 =	simm.s32 $0x80;
	s25 =	simm.s32 $0x2880  }
0x18: {  	s26 =	simm.s32 $0x2900;
	s19 =	sadd.s32 s19, s30;
	s20 =	sadd.s32 s20, s31  }
.LBB2_1:
0x19: {  	s0 =	rddreg [dreg:$0x5]  }
0x1a: {  	s30 =	sshrl.u32 s0, $0x3  }
0x1b: {  	[spmem:s30], [sflag:s10] =	dma.local [hbm:s8], $0x2800  }
0x1c: {  	_ =	swait.ge [sflag:s21], $0x2800  }
0x1d: {  	[sflag:s21] =	ssyncset.done $0x0  }
0x1e: {  	[sflag:s21] =	ssyncadd.s32 $0xFFFFD800  }
0x1f: {  	[bflag:$0x0] =	sbarrier.arrive $0xFFFF  }
0x20: {  	[tilespmem:s5], [sflag:$0x2] =	stream.linear.gather [hbm4b:s13+s5], $0x50, $0x38;
	[tilespmem:$0x7980] =	vst v63  }
0x21: {  	_ =	swait.ge [sflag:s21], $0x50  }
0x22: {  	[sflag:s21] =	ssyncset.done $0x0  }
0x23: {  	[sflag:s21] =	ssyncadd.s32 $0xFFFFFFB0  }
0x24: {  	[tilespmem:s23], [sflag:$0x1] =	stream.indirect.gather [hbm4b:s3+s22], $0x80, s5, s22, $0xb8;
	[tilespmem:$0x7980] =	vst v63  }
0x25: {  	_ =	swait.ge [sflag:s24], $0x2800  }
0x26: {  	[sflag:s24] =	ssyncset.done $0x0  }
0x27: {  	[sflag:s24] =	ssyncadd.s32 $0xFFFFD800  }
0x28: {  	[hbm4b:s14+s5] =	stream.linear.scatter [tilespmem:s23], [sflag:$0x2], $0x2800, $0x38;
	[tilespmem:$0x7980] =	vst v63  }
0x29: {  	_ =	swait.ge [sflag:s21], $0x2800  }
0x2a: {  	[sflag:s21] =	ssyncset.done $0x0  }
0x2b: {  	[sflag:s21] =	ssyncadd.s32 $0xFFFFD800  }
0x2c: {  	[tilespmem:s5], [sflag:$0x2] =	stream.linear.gather [hbm4b:s15+s5], $0x50, $0x38;
	[tilespmem:$0x7980] =	vst v63  }
0x2d: {  	_ =	swait.ge [sflag:s21], $0x50  }
0x2e: {  	[sflag:s21] =	ssyncset.done $0x0  }
0x2f: {  	[sflag:s21] =	ssyncadd.s32 $0xFFFFFFB0  }
0x30: {  	[tilespmem:s23], [sflag:$0x1] =	stream.indirect.gather [hbm4b:s3+s22], $0x80, s5, s22, $0xb8;
	[tilespmem:$0x7980] =	vst v63  }
0x31: {  	_ =	swait.ge [sflag:s24], $0x2800  }
0x32: {  	[sflag:s24] =	ssyncset.done $0x0  }
0x33: {  	[sflag:s24] =	ssyncadd.s32 $0xFFFFD800  }
0x34: {  	[hbm4b:s16+s5] =	stream.linear.scatter [tilespmem:s23], [sflag:$0x2], $0x2800, $0x38;
	[tilespmem:$0x7980] =	vst v63  }
0x35: {  	_ =	swait.ge [sflag:s21], $0x2800  }
0x36: {  	[sflag:s21] =	ssyncset.done $0x0  }
0x37: {  	[sflag:s21] =	ssyncadd.s32 $0xFFFFD800  }
0x38: {  	[tilespmem:s5], [sflag:$0x2] =	stream.linear.gather [hbm4b:s17+s5], $0x50, $0x38;
	[tilespmem:$0x7980] =	vst v63  }
0x39: {  	_ =	swait.ge [sflag:s21], $0x50  }
0x3a: {  	[sflag:s21] =	ssyncset.done $0x0  }
0x3b: {  	[sflag:s21] =	ssyncadd.s32 $0xFFFFFFB0  }
0x3c: {  	[tilespmem:s23], [sflag:$0x1] =	stream.indirect.gather [hbm4b:s3+s22], $0x80, s5, s22, $0xb8;
	[tilespmem:$0x7980] =	vst v63  }
0x3d: {  	_ =	swait.ge [sflag:s24], $0x2800  }
0x3e: {  	[sflag:s24] =	ssyncset.done $0x0  }
0x3f: {  	[sflag:s24] =	ssyncadd.s32 $0xFFFFD800  }
0x40: {  	[hbm4b:s18+s5] =	stream.linear.scatter [tilespmem:s23], [sflag:$0x2], $0x2800, $0x38;
	[tilespmem:$0x7980] =	vst v63  }
0x41: {  	_ =	swait.ge [sflag:s21], $0x2800  }
0x42: {  	[sflag:s21] =	ssyncset.done $0x0  }
0x43: {  	[sflag:s21] =	ssyncadd.s32 $0xFFFFD800  }
0x44: {  	[tilespmem:s5], [sflag:$0x2] =	stream.linear.gather [hbm4b:s19+s5], $0x50, $0x38;
	[tilespmem:$0x7980] =	vst v63  }
0x45: {  	_ =	swait.ge [sflag:s21], $0x50  }
0x46: {  	[sflag:s21] =	ssyncset.done $0x0  }
0x47: {  	[sflag:s21] =	ssyncadd.s32 $0xFFFFFFB0  }
0x48: {  	[tilespmem:s23], [sflag:$0x1] =	stream.indirect.gather [hbm4b:s3+s22], $0x80, s5, s22, $0xb8;
	[tilespmem:$0x7980] =	vst v63  }
0x49: {  	_ =	swait.ge [sflag:s24], $0x2800  }
0x4a: {  	[sflag:s24] =	ssyncset.done $0x0  }
0x4b: {  	[sflag:s24] =	ssyncadd.s32 $0xFFFFD800  }
0x4c: {  	[hbm4b:s20+s5] =	stream.linear.scatter [tilespmem:s23], [sflag:$0x2], $0x2800, $0x38;
	[tilespmem:$0x7980] =	vst v63  }
0x4d: {  	_ =	swait.ge [sflag:s21], $0x2800  }
0x4e: {  	[sflag:s21] =	ssyncset.done $0x0  }
0x4f: {  	s31 =	simm.s32 $0x0;
	[sflag:s21] =	ssyncadd.s32 $0xFFFFD800  }
.LBB2_2:
0x50: {  	s0 =	smul.u32 $0x50, s31;
	_ =	sdelay $0x1  }
0x51: {  	s0 =	sadd.s32 s9, s0  }
0x52: {  	s0 =	sshrl.u32 s0, $0x3  }
0x53: {  	s1 =	sadd.s32 s6, s0  }
0x54: {  	[tilespmem:s25], [sflag:$0x2] =	stream.linear.gather [hbm4b:s1+s7], $0x50, $0x38;
	[tilespmem:$0x7980] =	vst v63  }
0x55: {  	_ =	swait.ge [sflag:s21], $0x50  }
0x56: {  	[sflag:s21] =	ssyncset.done $0x0  }
0x57: {  	v0 =	vmov s7;
	s0 =	sadd.s32 s2, s0;
	[sflag:s21] =	ssyncadd.s32 $0xFFFFFFB0  }
0x58: {  	[tilespmem:s26], [sflag:$0x2] =	stream.linear.gather [hbm4b:s0+s7], $0x50, $0x38;
	[tilespmem:$0x7980] =	vst v63  }
0x59: {  	_ =	swait.ge [sflag:s21], $0x50  }
0x5a: {  	[sflag:s21] =	ssyncset.done $0x0  }
0x5b: {  	[sflag:s21] =	ssyncadd.s32 $0xFFFFFFB0  }
0x5c: {  	s1 =	simm.s32 $0x1;
	v0 =	vld.idx.msk [tilespmem:v0+s26+$0x0], $0xffff  }
0x5d: {  	v1 =	vmov s1;
	_ =	sdelay $0x2  }
0x5e: {  	s0 =	simm.s32 $0x2980  }
0x5f: {  	[tilespmem:s0+$0x0] =	vst v0  }
0x60: {  	s1 =	simm.s32 $0x2;
	v0 =	vld.idx.msk [tilespmem:v1+s26+$0x0], $0xffff  }
0x61: {  	v1 =	vmov s1;
	s1 =	simm.s32 $0x3  }
.LBB2_3:
0x62: {  	p0 =	sne.s32 s1, $0x4F;
	_ =	sdelay $0x1  }
.Ltmp0:
0x63: {  	s0 =	sadd.s32 $0x80, s0;
	(pc) =	sbr.rel @p0 .LBB2_3-.Ltmp0, $3  }
0x64: {  	[tilespmem:s0+$0x0] =	vst v0  }
0x65: {  	v0 =	vld.idx.msk [tilespmem:v1+s26+$0x0], $0xffff;
	_ =	sdelay $0x1  }
0x66: {  	v1 =	vmov s1;
	s1 =	sadd.s32 $0x1, s1  }
0x67: {  	_ =	sdelay $0x1  }
0x68: {  	s0 =	sadd.s32 $0x80, s0  }
0x69: {  	[tilespmem:s0+$0x0] =	vst v0  }
0x6a: {  	v0 =	vld.idx.msk [tilespmem:v1+s26+$0x0], $0xffff;
	_ =	sdelay $0x2  }
0x6b: {  	s31 =	sadd.s32 $0x1, s31  }
0x6c: {  	p0 =	sne.s32 s31, $0x7D;
	s0 =	sadd.s32 $0x80, s0  }
.Ltmp1:
0x6d: {  	[tilespmem:s0+$0x0] =	vst v0;
	(pc) =	sbr.rel @p0 .LBB2_2-.Ltmp1, $4  }
0x6e: {  	[spmem:s4] =	stream.indirect.scatter.add.f32 [tilespmem:s28], [sflag:$0x2], $0x10, s25, s22, $0xb8;
	[tilespmem:$0x7980] =	vst v63  }
0x6f: {  	_ =	swait.ge [sflag:s21], $0x500  }
0x70: {  	[sflag:s21] =	ssyncset.done $0x0  }
0x71: {  	[sflag:s21] =	ssyncadd.s32 $0xFFFFFB00  }
0x72: {  	s29 =	sadd.s32 $0x1, s29  }
0x73: {  	p0 =	sne.s32 s29, s12  }
.Ltmp2:
0x74: {  	[bflag:$0x0] =	sbarrier.arrive $0xFFFF;
	(pc) =	sbr.rel @p0 .LBB2_1-.Ltmp2, $4  }
0x75: {  	[hbm:s11], [sflag:s10] =	dma.local [spmem:s30], $0x2800  }
0x76: {  	_ =	swait.ge [sflag:s21], $0x2800  }
0x77: {  	[sflag:s21] =	ssyncset.done $0x0  }
0x78: {  	[sflag:s21] =	ssyncadd.s32 $0xFFFFD800  }
0x79: {  	_ =	sfence.sel $0x180000  }
0x7a: {  	[bflag:$0x0] =	sbarrier.arrive $0xFFFF  }
0x7b: {  	_ =	strace $0x90000047  }
0x7c: {  	s0 =	stileid.u32;
	[bflag:$0x2] =	sbarrier.arrive $0xFFFF  }
0x7d: {  	p0 =	sne.s32 s0, $0x0;
	s0 =	rddreg [dreg:$0x4]  }
0x7e: {  	s0 =	sadd.s32 @!p0 $0x100000, s0  }
0x7f: {  	[sflag:s0] =	ssyncadd.tile.s32 @!p0 $0x1;
	_ =	shalt  }
.Lfunc_end2:
_tile_overlayer_lowered:
.L_overlay_start_2:
0x80: {  	(tag) =	ssettag $0x2  }
0x81: {  	s0 =	rddreg [dreg:$0x0];
	s2 =	stileid.u32  }
0x82: {  	s1 =	rddreg [dreg:$0x1];
	p0 =	sne.s32 s2, $0x0  }
0x83: {  	s3 =	rddreg [dreg:$0x2];
	[bflag:$0x3] =	sbarrier.arrive $0xFFFF;
	s2 =	simm.s32 @!p0 $0x1C02  }
0x84: {  	[timem:s3], [sflag:s2] =	dma.local @!p0 [hbm:s0], s1  }
0x85: {  	s0 =	simm.s32 @!p0 $0x2  }
0x86: {  	_ =	swait.ge @!p0 [sflag:s0], s1  }
0x87: {  	s1 =	ssub.s32 @!p0 $0x0, s1;
	[sflag:s0] =	ssyncset.done @!p0 $0x0  }
0x88: {  	[sflag:s0] =	ssyncadd.s32 @!p0 s1  }
0x89: {  	[bflag:$0x3] =	sbarrier.arrive $0xFFFF  }
0x8a: {  	_ =	shalt  }

</sc_bundles>
